<compile_context>
chip_gen: v7x
topology: tpu7x:2x2x1
jax: 0.10.2.dev20260603
libtpu: 0.0.44.dev20260713+nightly
codegen_flags: <defaults>
</compile_context>

<pallas_src>
import functools

import jax
import jax.numpy as jnp
from jax import lax
from jax.experimental import pallas as pl
from jax.experimental.pallas import tpu as pltpu
from jax.experimental.pallas import tpu_sc as plsc

_N = 1000000
_K = 16
_B = 16384
_NBLK = 7813
_HALF = _NBLK * 1024

try:
    _info = plsc.get_sparse_core_info()
    _NC, _NS = _info.num_cores, _info.num_subcores
except Exception:
    _NC, _NS = 2, 16
_NW = _NC * _NS
_BPW = _B // _NW

_mesh = plsc.VectorSubcoreMesh(core_axis_name="c", subcore_axis_name="s")


@functools.partial(
    pl.kernel,
    mesh=_mesh,
    out_type=(
        jax.ShapeDtypeStruct((_K * _B,), jnp.float32),
        jax.ShapeDtypeStruct((_B,), jnp.float32),
    ),
    scratch_types=[
        pltpu.VMEM((_BPW,), jnp.int32),
        pltpu.VMEM((_BPW,), jnp.int32),
        pltpu.VMEM((_K * _BPW,), jnp.float32),
        pltpu.VMEM((_BPW,), jnp.float32),
        pltpu.SemaphoreType.DMA,
        pltpu.SemaphoreType.DMA,
    ],
    compiler_params=pltpu.CompilerParams(use_tc_tiling_on_sc=False,
                                         skip_device_barrier=True),
)
def _gather_kernel(idx_hbm, pos_hbm, het_hbm, out_pos, out_het,
                   idx_v, wrd_v, pos_v, het_v, sem_p, sem_h):
    wid = lax.axis_index("s") * _NC + lax.axis_index("c")
    base = wid * _BPW
    pltpu.sync_copy(idx_hbm.at[pl.ds(base, _BPW)], idx_v)

    cp_h = pltpu.async_copy(het_hbm.at[idx_v], het_v, sem_h)

    def wrd_body(g):
        v = idx_v[pl.ds(g * 16, 16)]
        wrd_v[pl.ds(g * 16, 16)] = (
            jax.lax.shift_left(jax.lax.shift_right_logical(v, 7), 10)
            | (v & 127))

    pl.loop(0, _BPW // 16)(wrd_body)

    copies = []
    for k in range(_K):
        off = (k // 8) * _HALF + (k % 8) * 128
        src = pos_hbm.at[pl.ds(off, _HALF * 2 - off)]
        copies.append(
            pltpu.async_copy(src.at[wrd_v],
                             pos_v.at[pl.ds(k * _BPW, _BPW)], sem_p))
    for cp in copies:
        cp.wait()
    cp_h.wait()

    for k in range(_K):
        pltpu.sync_copy(pos_v.at[pl.ds(k * _BPW, _BPW)],
                        out_pos.at[pl.ds(k * _B + base, _BPW)])
    pltpu.sync_copy(het_v, out_het.at[pl.ds(base, _BPW)])


def kernel(indices, values_pos, values_het):
    idx = indices.astype(jnp.int32)
    pos_y = (jnp.pad(values_pos, ((0, 64), (0, 0)))
             .reshape(_NBLK, 128, 2, 8)
             .transpose(2, 0, 3, 1)
             .reshape(-1))
    pos_kb, het_flat = _gather_kernel(idx, pos_y, values_het.reshape(-1))
    return (pos_kb.reshape(_K, _B).T, het_flat.reshape(_B, 1))

# --- scband reference (transcript-rebuilt; emitter-appended) ---
"""Pipeline reference for scband-encoder-13649406067370 (READ-ONLY COPY).

The authoritative reference and input builder live on the scoring server;
editing this copy changes nothing except your own understanding.
"""

import jax, jax.numpy as jnp
import numpy as np
import math

N = 1000000
K = 16
BATCH = 16384

def setup_inputs(seed: int = 0) -> dict:
    key = jax.random.key(seed)
    k1, k2, k3 = jax.random.split(key, 3)
    indices = jax.random.randint(k1, (BATCH,), 0, N, dtype=jnp.int64) if jax.config.jax_enable_x64 else jax.random.randint(k1, (BATCH,), 0, N, dtype=jnp.int32)
    # latent_position_encoder.values: randn(N, K) / sqrt(N*K), then projected (row-centered)
    values_pos = jax.random.normal(k2, (N, K), dtype=jnp.float32) / math.sqrt(N * K)
    values_pos = values_pos - jnp.mean(values_pos, axis=1, keepdims=True)
    # latent_heterogeneity_encoder.values: randn(N, 1) / sqrt(N*1), NOT projected
    values_het = jax.random.normal(k3, (N, 1), dtype=jnp.float32) / math.sqrt(N * 1)
    return {"indices": indices, "values_pos": values_pos, "values_het": values_het}

def reference(indices, values_pos, values_het):
    latent_position = jnp.take(values_pos, indices, axis=0)
    latent_heterogeneity = jnp.take(values_het, indices, axis=0)
    return (latent_position, latent_heterogeneity)

if __name__ == "__main__":
    import jax
    _d = setup_inputs()
    print(jax.jit(kernel)(*tuple(_d.values())))

</pallas_src>

<mosaic_0001>
#map = affine_map<(d0, d1) -> (0)>
module attributes {stable_mosaic.version = 14 : i64} {
  func.func @_gather_kernel(%arg0: i32, %arg1: i32, %arg2: memref<16384xi32, #tpu.memory_space<hbm>>, %arg3: memref<16001024xf32, #tpu.memory_space<hbm>>, %arg4: memref<1000000xf32, #tpu.memory_space<hbm>>, %arg5: memref<262144xf32, #tpu.memory_space<hbm>>, %arg6: memref<16384xf32, #tpu.memory_space<hbm>>, %arg7: memref<512xi32, #tpu.memory_space<vmem>>, %arg8: memref<512xi32, #tpu.memory_space<vmem>>, %arg9: memref<8192xf32, #tpu.memory_space<vmem>>, %arg10: memref<512xf32, #tpu.memory_space<vmem>>, %arg11: memref<!tpu.dma_semaphore, #tpu.memory_space<semaphore_mem>>, %arg12: memref<!tpu.dma_semaphore, #tpu.memory_space<semaphore_mem>>) attributes {dimension_semantics = [#tpu.dimension_semantics<core_parallel>, #tpu.dimension_semantics<subcore_parallel>], iteration_bounds = array<i64: 2, 16>, scalar_prefetch = 0 : i64, scratch_operands = 6 : i64, tpu.core_type = #tpu.core_type<sc_vector_subcore>, window_params = [{transform_indices = #map}, {transform_indices = #map}, {transform_indices = #map}, {transform_indices = #map}, {transform_indices = #map}]} {
    %mul3A = arith.constant 2 : i32
    %mul3A_0 = arith.muli %arg1, %mul3A : i32
    %add3A = arith.addi %mul3A_0, %arg0 : i32
    %mul3A_1 = arith.constant 512 : i32
    %mul3A_2 = arith.muli %add3A, %mul3A_1 : i32
    "tpu.region"() ({
      %run_scoped3A = tpu.sem_alloc : memref<!tpu.dma_semaphore, #tpu.memory_space<semaphore_mem>>
      %dma_start3A_233 = tpu.memref_slice %arg2[%mul3A_2] : memref<16384xi32, #tpu.memory_space<hbm>> -> memref<512xi32, #tpu.memory_space<hbm>>
      %dma_start3A_234 = tpu.memref_slice %arg2[%mul3A_2] : memref<16384xi32, #tpu.memory_space<hbm>> -> memref<512xi32, #tpu.memory_space<hbm>>
      tpu.enqueue_dma source(%dma_start3A_234 : memref<512xi32, #tpu.memory_space<hbm>>) target(%arg7 : memref<512xi32, #tpu.memory_space<vmem>>) target_semaphore(%run_scoped3A : memref<!tpu.dma_semaphore, #tpu.memory_space<semaphore_mem>>)
      %dma_wait3A_235 = tpu.memref_slice %arg2[%mul3A_2] : memref<16384xi32, #tpu.memory_space<hbm>> -> memref<512xi32, #tpu.memory_space<hbm>>
      %dma_wait3A_236 = tpu.memref_slice %arg2[%mul3A_2] : memref<16384xi32, #tpu.memory_space<hbm>> -> memref<512xi32, #tpu.memory_space<hbm>>
      tpu.wait_dma2 semaphore(%run_scoped3A : memref<!tpu.dma_semaphore, #tpu.memory_space<semaphore_mem>>) src(%dma_wait3A_236 : memref<512xi32, #tpu.memory_space<hbm>>) dst(%arg7 : memref<512xi32, #tpu.memory_space<vmem>>)
      tpu.yield
    }) : () -> ()
    %dma_start3A = arith.constant 0 : i32
    %dma_start3A_3 = tpu.memref_slice %arg4[%dma_start3A] : memref<1000000xf32, #tpu.memory_space<hbm>> -> memref<1000000xf32, #tpu.memory_space<hbm>>
    tpu.enqueue_indirect_dma source(%dma_start3A_3 : memref<1000000xf32, #tpu.memory_space<hbm>>) target(%arg10 : memref<512xf32, #tpu.memory_space<vmem>>) offsets(%arg7 : memref<512xi32, #tpu.memory_space<vmem>>) semaphore(%arg12 : memref<!tpu.dma_semaphore, #tpu.memory_space<semaphore_mem>>)
    %scan3A = arith.constant 0 : i32
    %scan3A_4 = arith.constant 32 : i32
    %scan3A_5 = arith.addi %scan3A, %scan3A_4 : i32
    %scan3A_6 = arith.constant 1 : i32
    scf.for %scan3A_233 = %scan3A to %scan3A_5 step %scan3A_6  : i32 {
      %mul3A_234 = arith.constant 1 : i32
      %mul3A_235 = arith.muli %scan3A_233, %mul3A_234 : i32
      %add3A_236 = arith.constant 0 : i32
      %add3A_237 = arith.addi %add3A_236, %mul3A_235 : i32
      %mul3A_238 = arith.constant 16 : i32
      %mul3A_239 = arith.muli %add3A_237, %mul3A_238 : i32
      %get3A = arith.index_cast %mul3A_239 : i32 to index
      %get3A_240 = tpu.vector_load %arg7[%get3A] {strides = array<i32>} : memref<512xi32, #tpu.memory_space<vmem>>, vector<16xi32>,
      %get3A_241 = vector.shape_cast %get3A_240 : vector<16xi32> to vector<16xi32>
      %shift_right_logical3A = arith.constant 7 : i32
      %shift_right_logical3A_242 = vector.broadcast %shift_right_logical3A : i32 to vector<16xi32>
      %shift_right_logical3A_243 = arith.shrui %get3A_241, %shift_right_logical3A_242 : vector<16xi32>
      %shift_left3A = arith.constant 10 : i32
      %shift_left3A_244 = vector.broadcast %shift_left3A : i32 to vector<16xi32>
      %shift_left3A_245 = arith.shli %shift_right_logical3A_243, %shift_left3A_244 : vector<16xi32>
      %and3A = arith.constant 127 : i32
      %and3A_246 = vector.broadcast %and3A : i32 to vector<16xi32>
      %and3A_247 = arith.andi %get3A_241, %and3A_246 : vector<16xi32>
      %or3A = arith.ori %shift_left3A_245, %and3A_247 : vector<16xi32>
      %mul3A_248 = arith.constant 16 : i32
      %mul3A_249 = arith.muli %add3A_237, %mul3A_248 : i32
      %swap3A = arith.index_cast %mul3A_249 : i32 to index
      %swap3A_250 = tpu.vector_load %arg8[%swap3A] {strides = array<i32>} : memref<512xi32, #tpu.memory_space<vmem>>, vector<16xi32>,
      %swap3A_251 = vector.shape_cast %swap3A_250 : vector<16xi32> to vector<16xi32>
      %swap3A_252 = vector.shape_cast %or3A : vector<16xi32> to vector<16xi32>
      tpu.vector_store %arg8[%swap3A], %swap3A_252 {strides = array<i32>} : memref<512xi32, #tpu.memory_space<vmem>>, vector<16xi32>,
    }
    %scan3A_7 = arith.constant 32 : i32
    %dma_start3A_8 = arith.constant 0 : i32
    %dma_start3A_9 = tpu.memref_slice %arg9[%dma_start3A_8] : memref<8192xf32, #tpu.memory_space<vmem>> -> memref<512xf32, #tpu.memory_space<vmem>>
    %dma_start3A_10 = arith.constant 0 : i32
    %dma_start3A_11 = tpu.memref_slice %arg3[%dma_start3A_10] : memref<16001024xf32, #tpu.memory_space<hbm>> -> memref<16001024xf32, #tpu.memory_space<hbm>>
    %dma_start3A_12 = arith.constant 0 : i32
    %dma_start3A_13 = tpu.memref_slice %dma_start3A_11[%dma_start3A_12] : memref<16001024xf32, #tpu.memory_space<hbm>> -> memref<16001024xf32, #tpu.memory_space<hbm>>
    tpu.enqueue_indirect_dma source(%dma_start3A_13 : memref<16001024xf32, #tpu.memory_space<hbm>>) target(%dma_start3A_9 : memref<512xf32, #tpu.memory_space<vmem>>) offsets(%arg8 : memref<512xi32, #tpu.memory_space<vmem>>) semaphore(%arg11 : memref<!tpu.dma_semaphore, #tpu.memory_space<semaphore_mem>>)
    %dma_start3A_14 = arith.constant 512 : i32
    %dma_start3A_15 = tpu.memref_slice %arg9[%dma_start3A_14] : memref<8192xf32, #tpu.memory_space<vmem>> -> memref<512xf32, #tpu.memory_space<vmem>>
    %dma_start3A_16 = arith.constant 128 : i32
    %dma_start3A_17 = tpu.memref_slice %arg3[%dma_start3A_16] : memref<16001024xf32, #tpu.memory_space<hbm>> -> memref<16000896xf32, #tpu.memory_space<hbm>>
    %dma_start3A_18 = arith.constant 0 : i32
    %dma_start3A_19 = tpu.memref_slice %dma_start3A_17[%dma_start3A_18] : memref<16000896xf32, #tpu.memory_space<hbm>> -> memref<16000896xf32, #tpu.memory_space<hbm>>
    tpu.enqueue_indirect_dma source(%dma_start3A_19 : memref<16000896xf32, #tpu.memory_space<hbm>>) target(%dma_start3A_15 : memref<512xf32, #tpu.memory_space<vmem>>) offsets(%arg8 : memref<512xi32, #tpu.memory_space<vmem>>) semaphore(%arg11 : memref<!tpu.dma_semaphore, #tpu.memory_space<semaphore_mem>>)
    %dma_start3A_20 = arith.constant 1024 : i32
    %dma_start3A_21 = tpu.memref_slice %arg9[%dma_start3A_20] : memref<8192xf32, #tpu.memory_space<vmem>> -> memref<512xf32, #tpu.memory_space<vmem>>
    %dma_start3A_22 = arith.constant 256 : i32
    %dma_start3A_23 = tpu.memref_slice %arg3[%dma_start3A_22] : memref<16001024xf32, #tpu.memory_space<hbm>> -> memref<16000768xf32, #tpu.memory_space<hbm>>
    %dma_start3A_24 = arith.constant 0 : i32
    %dma_start3A_25 = tpu.memref_slice %dma_start3A_23[%dma_start3A_24] : memref<16000768xf32, #tpu.memory_space<hbm>> -> memref<16000768xf32, #tpu.memory_space<hbm>>
    tpu.enqueue_indirect_dma source(%dma_start3A_25 : memref<16000768xf32, #tpu.memory_space<hbm>>) target(%dma_start3A_21 : memref<512xf32, #tpu.memory_space<vmem>>) offsets(%arg8 : memref<512xi32, #tpu.memory_space<vmem>>) semaphore(%arg11 : memref<!tpu.dma_semaphore, #tpu.memory_space<semaphore_mem>>)
    %dma_start3A_26 = arith.constant 1536 : i32
    %dma_start3A_27 = tpu.memref_slice %arg9[%dma_start3A_26] : memref<8192xf32, #tpu.memory_space<vmem>> -> memref<512xf32, #tpu.memory_space<vmem>>
    %dma_start3A_28 = arith.constant 384 : i32
    %dma_start3A_29 = tpu.memref_slice %arg3[%dma_start3A_28] : memref<16001024xf32, #tpu.memory_space<hbm>> -> memref<16000640xf32, #tpu.memory_space<hbm>>
    %dma_start3A_30 = arith.constant 0 : i32
    %dma_start3A_31 = tpu.memref_slice %dma_start3A_29[%dma_start3A_30] : memref<16000640xf32, #tpu.memory_space<hbm>> -> memref<16000640xf32, #tpu.memory_space<hbm>>
    tpu.enqueue_indirect_dma source(%dma_start3A_31 : memref<16000640xf32, #tpu.memory_space<hbm>>) target(%dma_start3A_27 : memref<512xf32, #tpu.memory_space<vmem>>) offsets(%arg8 : memref<512xi32, #tpu.memory_space<vmem>>) semaphore(%arg11 : memref<!tpu.dma_semaphore, #tpu.memory_space<semaphore_mem>>)
    %dma_start3A_32 = arith.constant 2048 : i32
    %dma_start3A_33 = tpu.memref_slice %arg9[%dma_start3A_32] : memref<8192xf32, #tpu.memory_space<vmem>> -> memref<512xf32, #tpu.memory_space<vmem>>
    %dma_start3A_34 = arith.constant 512 : i32
    %dma_start3A_35 = tpu.memref_slice %arg3[%dma_start3A_34] : memref<16001024xf32, #tpu.memory_space<hbm>> -> memref<16000512xf32, #tpu.memory_space<hbm>>
    %dma_start3A_36 = arith.constant 0 : i32
    %dma_start3A_37 = tpu.memref_slice %dma_start3A_35[%dma_start3A_36] : memref<16000512xf32, #tpu.memory_space<hbm>> -> memref<16000512xf32, #tpu.memory_space<hbm>>
    tpu.enqueue_indirect_dma source(%dma_start3A_37 : memref<16000512xf32, #tpu.memory_space<hbm>>) target(%dma_start3A_33 : memref<512xf32, #tpu.memory_space<vmem>>) offsets(%arg8 : memref<512xi32, #tpu.memory_space<vmem>>) semaphore(%arg11 : memref<!tpu.dma_semaphore, #tpu.memory_space<semaphore_mem>>)
    %dma_start3A_38 = arith.constant 2560 : i32
    %dma_start3A_39 = tpu.memref_slice %arg9[%dma_start3A_38] : memref<8192xf32, #tpu.memory_space<vmem>> -> memref<512xf32, #tpu.memory_space<vmem>>
    %dma_start3A_40 = arith.constant 640 : i32
    %dma_start3A_41 = tpu.memref_slice %arg3[%dma_start3A_40] : memref<16001024xf32, #tpu.memory_space<hbm>> -> memref<16000384xf32, #tpu.memory_space<hbm>>
    %dma_start3A_42 = arith.constant 0 : i32
    %dma_start3A_43 = tpu.memref_slice %dma_start3A_41[%dma_start3A_42] : memref<16000384xf32, #tpu.memory_space<hbm>> -> memref<16000384xf32, #tpu.memory_space<hbm>>
    tpu.enqueue_indirect_dma source(%dma_start3A_43 : memref<16000384xf32, #tpu.memory_space<hbm>>) target(%dma_start3A_39 : memref<512xf32, #tpu.memory_space<vmem>>) offsets(%arg8 : memref<512xi32, #tpu.memory_space<vmem>>) semaphore(%arg11 : memref<!tpu.dma_semaphore, #tpu.memory_space<semaphore_mem>>)
    %dma_start3A_44 = arith.constant 3072 : i32
    %dma_start3A_45 = tpu.memref_slice %arg9[%dma_start3A_44] : memref<8192xf32, #tpu.memory_space<vmem>> -> memref<512xf32, #tpu.memory_space<vmem>>
    %dma_start3A_46 = arith.constant 768 : i32
    %dma_start3A_47 = tpu.memref_slice %arg3[%dma_start3A_46] : memref<16001024xf32, #tpu.memory_space<hbm>> -> memref<16000256xf32, #tpu.memory_space<hbm>>
    %dma_start3A_48 = arith.constant 0 : i32
    %dma_start3A_49 = tpu.memref_slice %dma_start3A_47[%dma_start3A_48] : memref<16000256xf32, #tpu.memory_space<hbm>> -> memref<16000256xf32, #tpu.memory_space<hbm>>
    tpu.enqueue_indirect_dma source(%dma_start3A_49 : memref<16000256xf32, #tpu.memory_space<hbm>>) target(%dma_start3A_45 : memref<512xf32, #tpu.memory_space<vmem>>) offsets(%arg8 : memref<512xi32, #tpu.memory_space<vmem>>) semaphore(%arg11 : memref<!tpu.dma_semaphore, #tpu.memory_space<semaphore_mem>>)
    %dma_start3A_50 = arith.constant 3584 : i32
    %dma_start3A_51 = tpu.memref_slice %arg9[%dma_start3A_50] : memref<8192xf32, #tpu.memory_space<vmem>> -> memref<512xf32, #tpu.memory_space<vmem>>
    %dma_start3A_52 = arith.constant 896 : i32
    %dma_start3A_53 = tpu.memref_slice %arg3[%dma_start3A_52] : memref<16001024xf32, #tpu.memory_space<hbm>> -> memref<16000128xf32, #tpu.memory_space<hbm>>
    %dma_start3A_54 = arith.constant 0 : i32
    %dma_start3A_55 = tpu.memref_slice %dma_start3A_53[%dma_start3A_54] : memref<16000128xf32, #tpu.memory_space<hbm>> -> memref<16000128xf32, #tpu.memory_space<hbm>>
    tpu.enqueue_indirect_dma source(%dma_start3A_55 : memref<16000128xf32, #tpu.memory_space<hbm>>) target(%dma_start3A_51 : memref<512xf32, #tpu.memory_space<vmem>>) offsets(%arg8 : memref<512xi32, #tpu.memory_space<vmem>>) semaphore(%arg11 : memref<!tpu.dma_semaphore, #tpu.memory_space<semaphore_mem>>)
    %dma_start3A_56 = arith.constant 4096 : i32
    %dma_start3A_57 = tpu.memref_slice %arg9[%dma_start3A_56] : memref<8192xf32, #tpu.memory_space<vmem>> -> memref<512xf32, #tpu.memory_space<vmem>>
    %dma_start3A_58 = arith.constant 8000512 : i32
    %dma_start3A_59 = tpu.memref_slice %arg3[%dma_start3A_58] : memref<16001024xf32, #tpu.memory_space<hbm>> -> memref<8000512xf32, #tpu.memory_space<hbm>>
    %dma_start3A_60 = arith.constant 0 : i32
    %dma_start3A_61 = tpu.memref_slice %dma_start3A_59[%dma_start3A_60] : memref<8000512xf32, #tpu.memory_space<hbm>> -> memref<8000512xf32, #tpu.memory_space<hbm>>
    tpu.enqueue_indirect_dma source(%dma_start3A_61 : memref<8000512xf32, #tpu.memory_space<hbm>>) target(%dma_start3A_57 : memref<512xf32, #tpu.memory_space<vmem>>) offsets(%arg8 : memref<512xi32, #tpu.memory_space<vmem>>) semaphore(%arg11 : memref<!tpu.dma_semaphore, #tpu.memory_space<semaphore_mem>>)
    %dma_start3A_62 = arith.constant 4608 : i32
    %dma_start3A_63 = tpu.memref_slice %arg9[%dma_start3A_62] : memref<8192xf32, #tpu.memory_space<vmem>> -> memref<512xf32, #tpu.memory_space<vmem>>
    %dma_start3A_64 = arith.constant 8000640 : i32
    %dma_start3A_65 = tpu.memref_slice %arg3[%dma_start3A_64] : memref<16001024xf32, #tpu.memory_space<hbm>> -> memref<8000384xf32, #tpu.memory_space<hbm>>
    %dma_start3A_66 = arith.constant 0 : i32
    %dma_start3A_67 = tpu.memref_slice %dma_start3A_65[%dma_start3A_66] : memref<8000384xf32, #tpu.memory_space<hbm>> -> memref<8000384xf32, #tpu.memory_space<hbm>>
    tpu.enqueue_indirect_dma source(%dma_start3A_67 : memref<8000384xf32, #tpu.memory_space<hbm>>) target(%dma_start3A_63 : memref<512xf32, #tpu.memory_space<vmem>>) offsets(%arg8 : memref<512xi32, #tpu.memory_space<vmem>>) semaphore(%arg11 : memref<!tpu.dma_semaphore, #tpu.memory_space<semaphore_mem>>)
    %dma_start3A_68 = arith.constant 5120 : i32
    %dma_start3A_69 = tpu.memref_slice %arg9[%dma_start3A_68] : memref<8192xf32, #tpu.memory_space<vmem>> -> memref<512xf32, #tpu.memory_space<vmem>>
    %dma_start3A_70 = arith.constant 8000768 : i32
    %dma_start3A_71 = tpu.memref_slice %arg3[%dma_start3A_70] : memref<16001024xf32, #tpu.memory_space<hbm>> -> memref<8000256xf32, #tpu.memory_space<hbm>>
    %dma_start3A_72 = arith.constant 0 : i32
    %dma_start3A_73 = tpu.memref_slice %dma_start3A_71[%dma_start3A_72] : memref<8000256xf32, #tpu.memory_space<hbm>> -> memref<8000256xf32, #tpu.memory_space<hbm>>
    tpu.enqueue_indirect_dma source(%dma_start3A_73 : memref<8000256xf32, #tpu.memory_space<hbm>>) target(%dma_start3A_69 : memref<512xf32, #tpu.memory_space<vmem>>) offsets(%arg8 : memref<512xi32, #tpu.memory_space<vmem>>) semaphore(%arg11 : memref<!tpu.dma_semaphore, #tpu.memory_space<semaphore_mem>>)
    %dma_start3A_74 = arith.constant 5632 : i32
    %dma_start3A_75 = tpu.memref_slice %arg9[%dma_start3A_74] : memref<8192xf32, #tpu.memory_space<vmem>> -> memref<512xf32, #tpu.memory_space<vmem>>
    %dma_start3A_76 = arith.constant 8000896 : i32
    %dma_start3A_77 = tpu.memref_slice %arg3[%dma_start3A_76] : memref<16001024xf32, #tpu.memory_space<hbm>> -> memref<8000128xf32, #tpu.memory_space<hbm>>
    %dma_start3A_78 = arith.constant 0 : i32
    %dma_start3A_79 = tpu.memref_slice %dma_start3A_77[%dma_start3A_78] : memref<8000128xf32, #tpu.memory_space<hbm>> -> memref<8000128xf32, #tpu.memory_space<hbm>>
    tpu.enqueue_indirect_dma source(%dma_start3A_79 : memref<8000128xf32, #tpu.memory_space<hbm>>) target(%dma_start3A_75 : memref<512xf32, #tpu.memory_space<vmem>>) offsets(%arg8 : memref<512xi32, #tpu.memory_space<vmem>>) semaphore(%arg11 : memref<!tpu.dma_semaphore, #tpu.memory_space<semaphore_mem>>)
    %dma_start3A_80 = arith.constant 6144 : i32
    %dma_start3A_81 = tpu.memref_slice %arg9[%dma_start3A_80] : memref<8192xf32, #tpu.memory_space<vmem>> -> memref<512xf32, #tpu.memory_space<vmem>>
    %dma_start3A_82 = arith.constant 8001024 : i32
    %dma_start3A_83 = tpu.memref_slice %arg3[%dma_start3A_82] : memref<16001024xf32, #tpu.memory_space<hbm>> -> memref<8000000xf32, #tpu.memory_space<hbm>>
    %dma_start3A_84 = arith.constant 0 : i32
    %dma_start3A_85 = tpu.memref_slice %dma_start3A_83[%dma_start3A_84] : memref<8000000xf32, #tpu.memory_space<hbm>> -> memref<8000000xf32, #tpu.memory_space<hbm>>
    tpu.enqueue_indirect_dma source(%dma_start3A_85 : memref<8000000xf32, #tpu.memory_space<hbm>>) target(%dma_start3A_81 : memref<512xf32, #tpu.memory_space<vmem>>) offsets(%arg8 : memref<512xi32, #tpu.memory_space<vmem>>) semaphore(%arg11 : memref<!tpu.dma_semaphore, #tpu.memory_space<semaphore_mem>>)
    %dma_start3A_86 = arith.constant 6656 : i32
    %dma_start3A_87 = tpu.memref_slice %arg9[%dma_start3A_86] : memref<8192xf32, #tpu.memory_space<vmem>> -> memref<512xf32, #tpu.memory_space<vmem>>
    %dma_start3A_88 = arith.constant 8001152 : i32
    %dma_start3A_89 = tpu.memref_slice %arg3[%dma_start3A_88] : memref<16001024xf32, #tpu.memory_space<hbm>> -> memref<7999872xf32, #tpu.memory_space<hbm>>
    %dma_start3A_90 = arith.constant 0 : i32
    %dma_start3A_91 = tpu.memref_slice %dma_start3A_89[%dma_start3A_90] : memref<7999872xf32, #tpu.memory_space<hbm>> -> memref<7999872xf32, #tpu.memory_space<hbm>>
    tpu.enqueue_indirect_dma source(%dma_start3A_91 : memref<7999872xf32, #tpu.memory_space<hbm>>) target(%dma_start3A_87 : memref<512xf32, #tpu.memory_space<vmem>>) offsets(%arg8 : memref<512xi32, #tpu.memory_space<vmem>>) semaphore(%arg11 : memref<!tpu.dma_semaphore, #tpu.memory_space<semaphore_mem>>)
    %dma_start3A_92 = arith.constant 7168 : i32
    %dma_start3A_93 = tpu.memref_slice %arg9[%dma_start3A_92] : memref<8192xf32, #tpu.memory_space<vmem>> -> memref<512xf32, #tpu.memory_space<vmem>>
    %dma_start3A_94 = arith.constant 8001280 : i32
    %dma_start3A_95 = tpu.memref_slice %arg3[%dma_start3A_94] : memref<16001024xf32, #tpu.memory_space<hbm>> -> memref<7999744xf32, #tpu.memory_space<hbm>>
    %dma_start3A_96 = arith.constant 0 : i32
    %dma_start3A_97 = tpu.memref_slice %dma_start3A_95[%dma_start3A_96] : memref<7999744xf32, #tpu.memory_space<hbm>> -> memref<7999744xf32, #tpu.memory_space<hbm>>
    tpu.enqueue_indirect_dma source(%dma_start3A_97 : memref<7999744xf32, #tpu.memory_space<hbm>>) target(%dma_start3A_93 : memref<512xf32, #tpu.memory_space<vmem>>) offsets(%arg8 : memref<512xi32, #tpu.memory_space<vmem>>) semaphore(%arg11 : memref<!tpu.dma_semaphore, #tpu.memory_space<semaphore_mem>>)
    %dma_start3A_98 = arith.constant 7680 : i32
    %dma_start3A_99 = tpu.memref_slice %arg9[%dma_start3A_98] : memref<8192xf32, #tpu.memory_space<vmem>> -> memref<512xf32, #tpu.memory_space<vmem>>
    %dma_start3A_100 = arith.constant 8001408 : i32
    %dma_start3A_101 = tpu.memref_slice %arg3[%dma_start3A_100] : memref<16001024xf32, #tpu.memory_space<hbm>> -> memref<7999616xf32, #tpu.memory_space<hbm>>
    %dma_start3A_102 = arith.constant 0 : i32
    %dma_start3A_103 = tpu.memref_slice %dma_start3A_101[%dma_start3A_102] : memref<7999616xf32, #tpu.memory_space<hbm>> -> memref<7999616xf32, #tpu.memory_space<hbm>>
    tpu.enqueue_indirect_dma source(%dma_start3A_103 : memref<7999616xf32, #tpu.memory_space<hbm>>) target(%dma_start3A_99 : memref<512xf32, #tpu.memory_space<vmem>>) offsets(%arg8 : memref<512xi32, #tpu.memory_space<vmem>>) semaphore(%arg11 : memref<!tpu.dma_semaphore, #tpu.memory_space<semaphore_mem>>)
    %dma_wait3A = arith.constant 0 : i32
    %dma_wait3A_104 = tpu.memref_slice %arg9[%dma_wait3A] : memref<8192xf32, #tpu.memory_space<vmem>> -> memref<512xf32, #tpu.memory_space<vmem>>
    %dma_wait3A_105 = arith.constant 0 : i32
    %dma_wait3A_106 = tpu.memref_slice %arg3[%dma_wait3A_105] : memref<16001024xf32, #tpu.memory_space<hbm>> -> memref<16001024xf32, #tpu.memory_space<hbm>>
    %dma_wait3A_107 = arith.constant 0 : i32
    %dma_wait3A_108 = tpu.memref_slice %dma_wait3A_106[%dma_wait3A_107] : memref<16001024xf32, #tpu.memory_space<hbm>> -> memref<16001024xf32, #tpu.memory_space<hbm>>
    tpu.wait_indirect_dma semaphore(%arg11 : memref<!tpu.dma_semaphore, #tpu.memory_space<semaphore_mem>>) src(%dma_wait3A_108 : memref<16001024xf32, #tpu.memory_space<hbm>>) dst(%dma_wait3A_104 : memref<512xf32, #tpu.memory_space<vmem>>)
    %dma_wait3A_109 = arith.constant 512 : i32
    %dma_wait3A_110 = tpu.memref_slice %arg9[%dma_wait3A_109] : memref<8192xf32, #tpu.memory_space<vmem>> -> memref<512xf32, #tpu.memory_space<vmem>>
    %dma_wait3A_111 = arith.constant 128 : i32
    %dma_wait3A_112 = tpu.memref_slice %arg3[%dma_wait3A_111] : memref<16001024xf32, #tpu.memory_space<hbm>> -> memref<16000896xf32, #tpu.memory_space<hbm>>
    %dma_wait3A_113 = arith.constant 0 : i32
    %dma_wait3A_114 = tpu.memref_slice %dma_wait3A_112[%dma_wait3A_113] : memref<16000896xf32, #tpu.memory_space<hbm>> -> memref<16000896xf32, #tpu.memory_space<hbm>>
    tpu.wait_indirect_dma semaphore(%arg11 : memref<!tpu.dma_semaphore, #tpu.memory_space<semaphore_mem>>) src(%dma_wait3A_114 : memref<16000896xf32, #tpu.memory_space<hbm>>) dst(%dma_wait3A_110 : memref<512xf32, #tpu.memory_space<vmem>>)
    %dma_wait3A_115 = arith.constant 1024 : i32
    %dma_wait3A_116 = tpu.memref_slice %arg9[%dma_wait3A_115] : memref<8192xf32, #tpu.memory_space<vmem>> -> memref<512xf32, #tpu.memory_space<vmem>>
    %dma_wait3A_117 = arith.constant 256 : i32
    %dma_wait3A_118 = tpu.memref_slice %arg3[%dma_wait3A_117] : memref<16001024xf32, #tpu.memory_space<hbm>> -> memref<16000768xf32, #tpu.memory_space<hbm>>
    %dma_wait3A_119 = arith.constant 0 : i32
    %dma_wait3A_120 = tpu.memref_slice %dma_wait3A_118[%dma_wait3A_119] : memref<16000768xf32, #tpu.memory_space<hbm>> -> memref<16000768xf32, #tpu.memory_space<hbm>>
    tpu.wait_indirect_dma semaphore(%arg11 : memref<!tpu.dma_semaphore, #tpu.memory_space<semaphore_mem>>) src(%dma_wait3A_120 : memref<16000768xf32, #tpu.memory_space<hbm>>) dst(%dma_wait3A_116 : memref<512xf32, #tpu.memory_space<vmem>>)
    %dma_wait3A_121 = arith.constant 1536 : i32
    %dma_wait3A_122 = tpu.memref_slice %arg9[%dma_wait3A_121] : memref<8192xf32, #tpu.memory_space<vmem>> -> memref<512xf32, #tpu.memory_space<vmem>>
    %dma_wait3A_123 = arith.constant 384 : i32
    %dma_wait3A_124 = tpu.memref_slice %arg3[%dma_wait3A_123] : memref<16001024xf32, #tpu.memory_space<hbm>> -> memref<16000640xf32, #tpu.memory_space<hbm>>
    %dma_wait3A_125 = arith.constant 0 : i32
    %dma_wait3A_126 = tpu.memref_slice %dma_wait3A_124[%dma_wait3A_125] : memref<16000640xf32, #tpu.memory_space<hbm>> -> memref<16000640xf32, #tpu.memory_space<hbm>>
    tpu.wait_indirect_dma semaphore(%arg11 : memref<!tpu.dma_semaphore, #tpu.memory_space<semaphore_mem>>) src(%dma_wait3A_126 : memref<16000640xf32, #tpu.memory_space<hbm>>) dst(%dma_wait3A_122 : memref<512xf32, #tpu.memory_space<vmem>>)
    %dma_wait3A_127 = arith.constant 2048 : i32
    %dma_wait3A_128 = tpu.memref_slice %arg9[%dma_wait3A_127] : memref<8192xf32, #tpu.memory_space<vmem>> -> memref<512xf32, #tpu.memory_space<vmem>>
    %dma_wait3A_129 = arith.constant 512 : i32
    %dma_wait3A_130 = tpu.memref_slice %arg3[%dma_wait3A_129] : memref<16001024xf32, #tpu.memory_space<hbm>> -> memref<16000512xf32, #tpu.memory_space<hbm>>
    %dma_wait3A_131 = arith.constant 0 : i32
    %dma_wait3A_132 = tpu.memref_slice %dma_wait3A_130[%dma_wait3A_131] : memref<16000512xf32, #tpu.memory_space<hbm>> -> memref<16000512xf32, #tpu.memory_space<hbm>>
    tpu.wait_indirect_dma semaphore(%arg11 : memref<!tpu.dma_semaphore, #tpu.memory_space<semaphore_mem>>) src(%dma_wait3A_132 : memref<16000512xf32, #tpu.memory_space<hbm>>) dst(%dma_wait3A_128 : memref<512xf32, #tpu.memory_space<vmem>>)
    %dma_wait3A_133 = arith.constant 2560 : i32
    %dma_wait3A_134 = tpu.memref_slice %arg9[%dma_wait3A_133] : memref<8192xf32, #tpu.memory_space<vmem>> -> memref<512xf32, #tpu.memory_space<vmem>>
    %dma_wait3A_135 = arith.constant 640 : i32
    %dma_wait3A_136 = tpu.memref_slice %arg3[%dma_wait3A_135] : memref<16001024xf32, #tpu.memory_space<hbm>> -> memref<16000384xf32, #tpu.memory_space<hbm>>
    %dma_wait3A_137 = arith.constant 0 : i32
    %dma_wait3A_138 = tpu.memref_slice %dma_wait3A_136[%dma_wait3A_137] : memref<16000384xf32, #tpu.memory_space<hbm>> -> memref<16000384xf32, #tpu.memory_space<hbm>>
    tpu.wait_indirect_dma semaphore(%arg11 : memref<!tpu.dma_semaphore, #tpu.memory_space<semaphore_mem>>) src(%dma_wait3A_138 : memref<16000384xf32, #tpu.memory_space<hbm>>) dst(%dma_wait3A_134 : memref<512xf32, #tpu.memory_space<vmem>>)
    %dma_wait3A_139 = arith.constant 3072 : i32
    %dma_wait3A_140 = tpu.memref_slice %arg9[%dma_wait3A_139] : memref<8192xf32, #tpu.memory_space<vmem>> -> memref<512xf32, #tpu.memory_space<vmem>>
    %dma_wait3A_141 = arith.constant 768 : i32
    %dma_wait3A_142 = tpu.memref_slice %arg3[%dma_wait3A_141] : memref<16001024xf32, #tpu.memory_space<hbm>> -> memref<16000256xf32, #tpu.memory_space<hbm>>
    %dma_wait3A_143 = arith.constant 0 : i32
    %dma_wait3A_144 = tpu.memref_slice %dma_wait3A_142[%dma_wait3A_143] : memref<16000256xf32, #tpu.memory_space<hbm>> -> memref<16000256xf32, #tpu.memory_space<hbm>>
    tpu.wait_indirect_dma semaphore(%arg11 : memref<!tpu.dma_semaphore, #tpu.memory_space<semaphore_mem>>) src(%dma_wait3A_144 : memref<16000256xf32, #tpu.memory_space<hbm>>) dst(%dma_wait3A_140 : memref<512xf32, #tpu.memory_space<vmem>>)
    %dma_wait3A_145 = arith.constant 3584 : i32
    %dma_wait3A_146 = tpu.memref_slice %arg9[%dma_wait3A_145] : memref<8192xf32, #tpu.memory_space<vmem>> -> memref<512xf32, #tpu.memory_space<vmem>>
    %dma_wait3A_147 = arith.constant 896 : i32
    %dma_wait3A_148 = tpu.memref_slice %arg3[%dma_wait3A_147] : memref<16001024xf32, #tpu.memory_space<hbm>> -> memref<16000128xf32, #tpu.memory_space<hbm>>
    %dma_wait3A_149 = arith.constant 0 : i32
    %dma_wait3A_150 = tpu.memref_slice %dma_wait3A_148[%dma_wait3A_149] : memref<16000128xf32, #tpu.memory_space<hbm>> -> memref<16000128xf32, #tpu.memory_space<hbm>>
    tpu.wait_indirect_dma semaphore(%arg11 : memref<!tpu.dma_semaphore, #tpu.memory_space<semaphore_mem>>) src(%dma_wait3A_150 : memref<16000128xf32, #tpu.memory_space<hbm>>) dst(%dma_wait3A_146 : memref<512xf32, #tpu.memory_space<vmem>>)
    %dma_wait3A_151 = arith.constant 4096 : i32
    %dma_wait3A_152 = tpu.memref_slice %arg9[%dma_wait3A_151] : memref<8192xf32, #tpu.memory_space<vmem>> -> memref<512xf32, #tpu.memory_space<vmem>>
    %dma_wait3A_153 = arith.constant 8000512 : i32
    %dma_wait3A_154 = tpu.memref_slice %arg3[%dma_wait3A_153] : memref<16001024xf32, #tpu.memory_space<hbm>> -> memref<8000512xf32, #tpu.memory_space<hbm>>
    %dma_wait3A_155 = arith.constant 0 : i32
    %dma_wait3A_156 = tpu.memref_slice %dma_wait3A_154[%dma_wait3A_155] : memref<8000512xf32, #tpu.memory_space<hbm>> -> memref<8000512xf32, #tpu.memory_space<hbm>>
    tpu.wait_indirect_dma semaphore(%arg11 : memref<!tpu.dma_semaphore, #tpu.memory_space<semaphore_mem>>) src(%dma_wait3A_156 : memref<8000512xf32, #tpu.memory_space<hbm>>) dst(%dma_wait3A_152 : memref<512xf32, #tpu.memory_space<vmem>>)
    %dma_wait3A_157 = arith.constant 4608 : i32
    %dma_wait3A_158 = tpu.memref_slice %arg9[%dma_wait3A_157] : memref<8192xf32, #tpu.memory_space<vmem>> -> memref<512xf32, #tpu.memory_space<vmem>>
    %dma_wait3A_159 = arith.constant 8000640 : i32
    %dma_wait3A_160 = tpu.memref_slice %arg3[%dma_wait3A_159] : memref<16001024xf32, #tpu.memory_space<hbm>> -> memref<8000384xf32, #tpu.memory_space<hbm>>
    %dma_wait3A_161 = arith.constant 0 : i32
    %dma_wait3A_162 = tpu.memref_slice %dma_wait3A_160[%dma_wait3A_161] : memref<8000384xf32, #tpu.memory_space<hbm>> -> memref<8000384xf32, #tpu.memory_space<hbm>>
    tpu.wait_indirect_dma semaphore(%arg11 : memref<!tpu.dma_semaphore, #tpu.memory_space<semaphore_mem>>) src(%dma_wait3A_162 : memref<8000384xf32, #tpu.memory_space<hbm>>) dst(%dma_wait3A_158 : memref<512xf32, #tpu.memory_space<vmem>>)
    %dma_wait3A_163 = arith.constant 5120 : i32
    %dma_wait3A_164 = tpu.memref_slice %arg9[%dma_wait3A_163] : memref<8192xf32, #tpu.memory_space<vmem>> -> memref<512xf32, #tpu.memory_space<vmem>>
    %dma_wait3A_165 = arith.constant 8000768 : i32
    %dma_wait3A_166 = tpu.memref_slice %arg3[%dma_wait3A_165] : memref<16001024xf32, #tpu.memory_space<hbm>> -> memref<8000256xf32, #tpu.memory_space<hbm>>
    %dma_wait3A_167 = arith.constant 0 : i32
    %dma_wait3A_168 = tpu.memref_slice %dma_wait3A_166[%dma_wait3A_167] : memref<8000256xf32, #tpu.memory_space<hbm>> -> memref<8000256xf32, #tpu.memory_space<hbm>>
    tpu.wait_indirect_dma semaphore(%arg11 : memref<!tpu.dma_semaphore, #tpu.memory_space<semaphore_mem>>) src(%dma_wait3A_168 : memref<8000256xf32, #tpu.memory_space<hbm>>) dst(%dma_wait3A_164 : memref<512xf32, #tpu.memory_space<vmem>>)
    %dma_wait3A_169 = arith.constant 5632 : i32
    %dma_wait3A_170 = tpu.memref_slice %arg9[%dma_wait3A_169] : memref<8192xf32, #tpu.memory_space<vmem>> -> memref<512xf32, #tpu.memory_space<vmem>>
    %dma_wait3A_171 = arith.constant 8000896 : i32
    %dma_wait3A_172 = tpu.memref_slice %arg3[%dma_wait3A_171] : memref<16001024xf32, #tpu.memory_space<hbm>> -> memref<8000128xf32, #tpu.memory_space<hbm>>
    %dma_wait3A_173 = arith.constant 0 : i32
    %dma_wait3A_174 = tpu.memref_slice %dma_wait3A_172[%dma_wait3A_173] : memref<8000128xf32, #tpu.memory_space<hbm>> -> memref<8000128xf32, #tpu.memory_space<hbm>>
    tpu.wait_indirect_dma semaphore(%arg11 : memref<!tpu.dma_semaphore, #tpu.memory_space<semaphore_mem>>) src(%dma_wait3A_174 : memref<8000128xf32, #tpu.memory_space<hbm>>) dst(%dma_wait3A_170 : memref<512xf32, #tpu.memory_space<vmem>>)
    %dma_wait3A_175 = arith.constant 6144 : i32
    %dma_wait3A_176 = tpu.memref_slice %arg9[%dma_wait3A_175] : memref<8192xf32, #tpu.memory_space<vmem>> -> memref<512xf32, #tpu.memory_space<vmem>>
    %dma_wait3A_177 = arith.constant 8001024 : i32
    %dma_wait3A_178 = tpu.memref_slice %arg3[%dma_wait3A_177] : memref<16001024xf32, #tpu.memory_space<hbm>> -> memref<8000000xf32, #tpu.memory_space<hbm>>
    %dma_wait3A_179 = arith.constant 0 : i32
    %dma_wait3A_180 = tpu.memref_slice %dma_wait3A_178[%dma_wait3A_179] : memref<8000000xf32, #tpu.memory_space<hbm>> -> memref<8000000xf32, #tpu.memory_space<hbm>>
    tpu.wait_indirect_dma semaphore(%arg11 : memref<!tpu.dma_semaphore, #tpu.memory_space<semaphore_mem>>) src(%dma_wait3A_180 : memref<8000000xf32, #tpu.memory_space<hbm>>) dst(%dma_wait3A_176 : memref<512xf32, #tpu.memory_space<vmem>>)
    %dma_wait3A_181 = arith.constant 6656 : i32
    %dma_wait3A_182 = tpu.memref_slice %arg9[%dma_wait3A_181] : memref<8192xf32, #tpu.memory_space<vmem>> -> memref<512xf32, #tpu.memory_space<vmem>>
    %dma_wait3A_183 = arith.constant 8001152 : i32
    %dma_wait3A_184 = tpu.memref_slice %arg3[%dma_wait3A_183] : memref<16001024xf32, #tpu.memory_space<hbm>> -> memref<7999872xf32, #tpu.memory_space<hbm>>
    %dma_wait3A_185 = arith.constant 0 : i32
    %dma_wait3A_186 = tpu.memref_slice %dma_wait3A_184[%dma_wait3A_185] : memref<7999872xf32, #tpu.memory_space<hbm>> -> memref<7999872xf32, #tpu.memory_space<hbm>>
    tpu.wait_indirect_dma semaphore(%arg11 : memref<!tpu.dma_semaphore, #tpu.memory_space<semaphore_mem>>) src(%dma_wait3A_186 : memref<7999872xf32, #tpu.memory_space<hbm>>) dst(%dma_wait3A_182 : memref<512xf32, #tpu.memory_space<vmem>>)
    %dma_wait3A_187 = arith.constant 7168 : i32
    %dma_wait3A_188 = tpu.memref_slice %arg9[%dma_wait3A_187] : memref<8192xf32, #tpu.memory_space<vmem>> -> memref<512xf32, #tpu.memory_space<vmem>>
    %dma_wait3A_189 = arith.constant 8001280 : i32
    %dma_wait3A_190 = tpu.memref_slice %arg3[%dma_wait3A_189] : memref<16001024xf32, #tpu.memory_space<hbm>> -> memref<7999744xf32, #tpu.memory_space<hbm>>
    %dma_wait3A_191 = arith.constant 0 : i32
    %dma_wait3A_192 = tpu.memref_slice %dma_wait3A_190[%dma_wait3A_191] : memref<7999744xf32, #tpu.memory_space<hbm>> -> memref<7999744xf32, #tpu.memory_space<hbm>>
    tpu.wait_indirect_dma semaphore(%arg11 : memref<!tpu.dma_semaphore, #tpu.memory_space<semaphore_mem>>) src(%dma_wait3A_192 : memref<7999744xf32, #tpu.memory_space<hbm>>) dst(%dma_wait3A_188 : memref<512xf32, #tpu.memory_space<vmem>>)
    %dma_wait3A_193 = arith.constant 7680 : i32
    %dma_wait3A_194 = tpu.memref_slice %arg9[%dma_wait3A_193] : memref<8192xf32, #tpu.memory_space<vmem>> -> memref<512xf32, #tpu.memory_space<vmem>>
    %dma_wait3A_195 = arith.constant 8001408 : i32
    %dma_wait3A_196 = tpu.memref_slice %arg3[%dma_wait3A_195] : memref<16001024xf32, #tpu.memory_space<hbm>> -> memref<7999616xf32, #tpu.memory_space<hbm>>
    %dma_wait3A_197 = arith.constant 0 : i32
    %dma_wait3A_198 = tpu.memref_slice %dma_wait3A_196[%dma_wait3A_197] : memref<7999616xf32, #tpu.memory_space<hbm>> -> memref<7999616xf32, #tpu.memory_space<hbm>>
    tpu.wait_indirect_dma semaphore(%arg11 : memref<!tpu.dma_semaphore, #tpu.memory_space<semaphore_mem>>) src(%dma_wait3A_198 : memref<7999616xf32, #tpu.memory_space<hbm>>) dst(%dma_wait3A_194 : memref<512xf32, #tpu.memory_space<vmem>>)
    %dma_wait3A_199 = arith.constant 0 : i32
    %dma_wait3A_200 = tpu.memref_slice %arg4[%dma_wait3A_199] : memref<1000000xf32, #tpu.memory_space<hbm>> -> memref<1000000xf32, #tpu.memory_space<hbm>>
    tpu.wait_indirect_dma semaphore(%arg12 : memref<!tpu.dma_semaphore, #tpu.memory_space<semaphore_mem>>) src(%dma_wait3A_200 : memref<1000000xf32, #tpu.memory_space<hbm>>) dst(%arg10 : memref<512xf32, #tpu.memory_space<vmem>>)
    %add3A_201 = arith.constant 0 : i32
    %add3A_202 = arith.addi %add3A_201, %mul3A_2 : i32
    "tpu.region"() ({
      %run_scoped3A = tpu.sem_alloc : memref<!tpu.dma_semaphore, #tpu.memory_space<semaphore_mem>>
      %dma_start3A_233 = arith.constant 0 : i32
      %dma_start3A_234 = tpu.memref_slice %arg9[%dma_start3A_233] : memref<8192xf32, #tpu.memory_space<vmem>> -> memref<512xf32, #tpu.memory_space<vmem>>
      %dma_start3A_235 = tpu.memref_slice %arg5[%add3A_202] : memref<262144xf32, #tpu.memory_space<hbm>> -> memref<512xf32, #tpu.memory_space<hbm>>
      %dma_start3A_236 = tpu.memref_slice %arg5[%add3A_202] : memref<262144xf32, #tpu.memory_space<hbm>> -> memref<512xf32, #tpu.memory_space<hbm>>
      %dma_start3A_237 = arith.constant 0 : i32
      %dma_start3A_238 = tpu.memref_slice %arg9[%dma_start3A_237] : memref<8192xf32, #tpu.memory_space<vmem>> -> memref<512xf32, #tpu.memory_space<vmem>>
      tpu.enqueue_dma source(%dma_start3A_238 : memref<512xf32, #tpu.memory_space<vmem>>) target(%dma_start3A_236 : memref<512xf32, #tpu.memory_space<hbm>>) target_semaphore(%run_scoped3A : memref<!tpu.dma_semaphore, #tpu.memory_space<semaphore_mem>>)
      %dma_wait3A_239 = arith.constant 0 : i32
      %dma_wait3A_240 = tpu.memref_slice %arg9[%dma_wait3A_239] : memref<8192xf32, #tpu.memory_space<vmem>> -> memref<512xf32, #tpu.memory_space<vmem>>
      %dma_wait3A_241 = tpu.memref_slice %arg5[%add3A_202] : memref<262144xf32, #tpu.memory_space<hbm>> -> memref<512xf32, #tpu.memory_space<hbm>>
      %dma_wait3A_242 = tpu.memref_slice %arg5[%add3A_202] : memref<262144xf32, #tpu.memory_space<hbm>> -> memref<512xf32, #tpu.memory_space<hbm>>
      %dma_wait3A_243 = arith.constant 0 : i32
      %dma_wait3A_244 = tpu.memref_slice %arg9[%dma_wait3A_243] : memref<8192xf32, #tpu.memory_space<vmem>> -> memref<512xf32, #tpu.memory_space<vmem>>
      tpu.wait_dma2 semaphore(%run_scoped3A : memref<!tpu.dma_semaphore, #tpu.memory_space<semaphore_mem>>) src(%dma_wait3A_244 : memref<512xf32, #tpu.memory_space<vmem>>) dst(%dma_wait3A_242 : memref<512xf32, #tpu.memory_space<hbm>>)
      tpu.yield
    }) : () -> ()
    %add3A_203 = arith.constant 16384 : i32
    %add3A_204 = arith.addi %add3A_203, %mul3A_2 : i32
    "tpu.region"() ({
      %run_scoped3A = tpu.sem_alloc : memref<!tpu.dma_semaphore, #tpu.memory_space<semaphore_mem>>
      %dma_start3A_233 = arith.constant 512 : i32
      %dma_start3A_234 = tpu.memref_slice %arg9[%dma_start3A_233] : memref<8192xf32, #tpu.memory_space<vmem>> -> memref<512xf32, #tpu.memory_space<vmem>>
      %dma_start3A_235 = tpu.memref_slice %arg5[%add3A_204] : memref<262144xf32, #tpu.memory_space<hbm>> -> memref<512xf32, #tpu.memory_space<hbm>>
      %dma_start3A_236 = tpu.memref_slice %arg5[%add3A_204] : memref<262144xf32, #tpu.memory_space<hbm>> -> memref<512xf32, #tpu.memory_space<hbm>>
      %dma_start3A_237 = arith.constant 512 : i32
      %dma_start3A_238 = tpu.memref_slice %arg9[%dma_start3A_237] : memref<8192xf32, #tpu.memory_space<vmem>> -> memref<512xf32, #tpu.memory_space<vmem>>
      tpu.enqueue_dma source(%dma_start3A_238 : memref<512xf32, #tpu.memory_space<vmem>>) target(%dma_start3A_236 : memref<512xf32, #tpu.memory_space<hbm>>) target_semaphore(%run_scoped3A : memref<!tpu.dma_semaphore, #tpu.memory_space<semaphore_mem>>)
      %dma_wait3A_239 = arith.constant 512 : i32
      %dma_wait3A_240 = tpu.memref_slice %arg9[%dma_wait3A_239] : memref<8192xf32, #tpu.memory_space<vmem>> -> memref<512xf32, #tpu.memory_space<vmem>>
      %dma_wait3A_241 = tpu.memref_slice %arg5[%add3A_204] : memref<262144xf32, #tpu.memory_space<hbm>> -> memref<512xf32, #tpu.memory_space<hbm>>
      %dma_wait3A_242 = tpu.memref_slice %arg5[%add3A_204] : memref<262144xf32, #tpu.memory_space<hbm>> -> memref<512xf32, #tpu.memory_space<hbm>>
      %dma_wait3A_243 = arith.constant 512 : i32
      %dma_wait3A_244 = tpu.memref_slice %arg9[%dma_wait3A_243] : memref<8192xf32, #tpu.memory_space<vmem>> -> memref<512xf32, #tpu.memory_space<vmem>>
      tpu.wait_dma2 semaphore(%run_scoped3A : memref<!tpu.dma_semaphore, #tpu.memory_space<semaphore_mem>>) src(%dma_wait3A_244 : memref<512xf32, #tpu.memory_space<vmem>>) dst(%dma_wait3A_242 : memref<512xf32, #tpu.memory_space<hbm>>)
      tpu.yield
    }) : () -> ()
    %add3A_205 = arith.constant 32768 : i32
    %add3A_206 = arith.addi %add3A_205, %mul3A_2 : i32
    "tpu.region"() ({
      %run_scoped3A = tpu.sem_alloc : memref<!tpu.dma_semaphore, #tpu.memory_space<semaphore_mem>>
      %dma_start3A_233 = arith.constant 1024 : i32
      %dma_start3A_234 = tpu.memref_slice %arg9[%dma_start3A_233] : memref<8192xf32, #tpu.memory_space<vmem>> -> memref<512xf32, #tpu.memory_space<vmem>>
      %dma_start3A_235 = tpu.memref_slice %arg5[%add3A_206] : memref<262144xf32, #tpu.memory_space<hbm>> -> memref<512xf32, #tpu.memory_space<hbm>>
      %dma_start3A_236 = tpu.memref_slice %arg5[%add3A_206] : memref<262144xf32, #tpu.memory_space<hbm>> -> memref<512xf32, #tpu.memory_space<hbm>>
      %dma_start3A_237 = arith.constant 1024 : i32
      %dma_start3A_238 = tpu.memref_slice %arg9[%dma_start3A_237] : memref<8192xf32, #tpu.memory_space<vmem>> -> memref<512xf32, #tpu.memory_space<vmem>>
      tpu.enqueue_dma source(%dma_start3A_238 : memref<512xf32, #tpu.memory_space<vmem>>) target(%dma_start3A_236 : memref<512xf32, #tpu.memory_space<hbm>>) target_semaphore(%run_scoped3A : memref<!tpu.dma_semaphore, #tpu.memory_space<semaphore_mem>>)
      %dma_wait3A_239 = arith.constant 1024 : i32
      %dma_wait3A_240 = tpu.memref_slice %arg9[%dma_wait3A_239] : memref<8192xf32, #tpu.memory_space<vmem>> -> memref<512xf32, #tpu.memory_space<vmem>>
      %dma_wait3A_241 = tpu.memref_slice %arg5[%add3A_206] : memref<262144xf32, #tpu.memory_space<hbm>> -> memref<512xf32, #tpu.memory_space<hbm>>
      %dma_wait3A_242 = tpu.memref_slice %arg5[%add3A_206] : memref<262144xf32, #tpu.memory_space<hbm>> -> memref<512xf32, #tpu.memory_space<hbm>>
      %dma_wait3A_243 = arith.constant 1024 : i32
      %dma_wait3A_244 = tpu.memref_slice %arg9[%dma_wait3A_243] : memref<8192xf32, #tpu.memory_space<vmem>> -> memref<512xf32, #tpu.memory_space<vmem>>
      tpu.wait_dma2 semaphore(%run_scoped3A : memref<!tpu.dma_semaphore, #tpu.memory_space<semaphore_mem>>) src(%dma_wait3A_244 : memref<512xf32, #tpu.memory_space<vmem>>) dst(%dma_wait3A_242 : memref<512xf32, #tpu.memory_space<hbm>>)
      tpu.yield
    }) : () -> ()
    %add3A_207 = arith.constant 49152 : i32
    %add3A_208 = arith.addi %add3A_207, %mul3A_2 : i32
    "tpu.region"() ({
      %run_scoped3A = tpu.sem_alloc : memref<!tpu.dma_semaphore, #tpu.memory_space<semaphore_mem>>
      %dma_start3A_233 = arith.constant 1536 : i32
      %dma_start3A_234 = tpu.memref_slice %arg9[%dma_start3A_233] : memref<8192xf32, #tpu.memory_space<vmem>> -> memref<512xf32, #tpu.memory_space<vmem>>
      %dma_start3A_235 = tpu.memref_slice %arg5[%add3A_208] : memref<262144xf32, #tpu.memory_space<hbm>> -> memref<512xf32, #tpu.memory_space<hbm>>
      %dma_start3A_236 = tpu.memref_slice %arg5[%add3A_208] : memref<262144xf32, #tpu.memory_space<hbm>> -> memref<512xf32, #tpu.memory_space<hbm>>
      %dma_start3A_237 = arith.constant 1536 : i32
      %dma_start3A_238 = tpu.memref_slice %arg9[%dma_start3A_237] : memref<8192xf32, #tpu.memory_space<vmem>> -> memref<512xf32, #tpu.memory_space<vmem>>
      tpu.enqueue_dma source(%dma_start3A_238 : memref<512xf32, #tpu.memory_space<vmem>>) target(%dma_start3A_236 : memref<512xf32, #tpu.memory_space<hbm>>) target_semaphore(%run_scoped3A : memref<!tpu.dma_semaphore, #tpu.memory_space<semaphore_mem>>)
      %dma_wait3A_239 = arith.constant 1536 : i32
      %dma_wait3A_240 = tpu.memref_slice %arg9[%dma_wait3A_239] : memref<8192xf32, #tpu.memory_space<vmem>> -> memref<512xf32, #tpu.memory_space<vmem>>
      %dma_wait3A_241 = tpu.memref_slice %arg5[%add3A_208] : memref<262144xf32, #tpu.memory_space<hbm>> -> memref<512xf32, #tpu.memory_space<hbm>>
      %dma_wait3A_242 = tpu.memref_slice %arg5[%add3A_208] : memref<262144xf32, #tpu.memory_space<hbm>> -> memref<512xf32, #tpu.memory_space<hbm>>
      %dma_wait3A_243 = arith.constant 1536 : i32
      %dma_wait3A_244 = tpu.memref_slice %arg9[%dma_wait3A_243] : memref<8192xf32, #tpu.memory_space<vmem>> -> memref<512xf32, #tpu.memory_space<vmem>>
      tpu.wait_dma2 semaphore(%run_scoped3A : memref<!tpu.dma_semaphore, #tpu.memory_space<semaphore_mem>>) src(%dma_wait3A_244 : memref<512xf32, #tpu.memory_space<vmem>>) dst(%dma_wait3A_242 : memref<512xf32, #tpu.memory_space<hbm>>)
      tpu.yield
    }) : () -> ()
    %add3A_209 = arith.constant 65536 : i32
    %add3A_210 = arith.addi %add3A_209, %mul3A_2 : i32
    "tpu.region"() ({
      %run_scoped3A = tpu.sem_alloc : memref<!tpu.dma_semaphore, #tpu.memory_space<semaphore_mem>>
      %dma_start3A_233 = arith.constant 2048 : i32
      %dma_start3A_234 = tpu.memref_slice %arg9[%dma_start3A_233] : memref<8192xf32, #tpu.memory_space<vmem>> -> memref<512xf32, #tpu.memory_space<vmem>>
      %dma_start3A_235 = tpu.memref_slice %arg5[%add3A_210] : memref<262144xf32, #tpu.memory_space<hbm>> -> memref<512xf32, #tpu.memory_space<hbm>>
      %dma_start3A_236 = tpu.memref_slice %arg5[%add3A_210] : memref<262144xf32, #tpu.memory_space<hbm>> -> memref<512xf32, #tpu.memory_space<hbm>>
      %dma_start3A_237 = arith.constant 2048 : i32
      %dma_start3A_238 = tpu.memref_slice %arg9[%dma_start3A_237] : memref<8192xf32, #tpu.memory_space<vmem>> -> memref<512xf32, #tpu.memory_space<vmem>>
      tpu.enqueue_dma source(%dma_start3A_238 : memref<512xf32, #tpu.memory_space<vmem>>) target(%dma_start3A_236 : memref<512xf32, #tpu.memory_space<hbm>>) target_semaphore(%run_scoped3A : memref<!tpu.dma_semaphore, #tpu.memory_space<semaphore_mem>>)
      %dma_wait3A_239 = arith.constant 2048 : i32
      %dma_wait3A_240 = tpu.memref_slice %arg9[%dma_wait3A_239] : memref<8192xf32, #tpu.memory_space<vmem>> -> memref<512xf32, #tpu.memory_space<vmem>>
      %dma_wait3A_241 = tpu.memref_slice %arg5[%add3A_210] : memref<262144xf32, #tpu.memory_space<hbm>> -> memref<512xf32, #tpu.memory_space<hbm>>
      %dma_wait3A_242 = tpu.memref_slice %arg5[%add3A_210] : memref<262144xf32, #tpu.memory_space<hbm>> -> memref<512xf32, #tpu.memory_space<hbm>>
      %dma_wait3A_243 = arith.constant 2048 : i32
      %dma_wait3A_244 = tpu.memref_slice %arg9[%dma_wait3A_243] : memref<8192xf32, #tpu.memory_space<vmem>> -> memref<512xf32, #tpu.memory_space<vmem>>
      tpu.wait_dma2 semaphore(%run_scoped3A : memref<!tpu.dma_semaphore, #tpu.memory_space<semaphore_mem>>) src(%dma_wait3A_244 : memref<512xf32, #tpu.memory_space<vmem>>) dst(%dma_wait3A_242 : memref<512xf32, #tpu.memory_space<hbm>>)
      tpu.yield
    }) : () -> ()
    %add3A_211 = arith.constant 81920 : i32
    %add3A_212 = arith.addi %add3A_211, %mul3A_2 : i32
    "tpu.region"() ({
      %run_scoped3A = tpu.sem_alloc : memref<!tpu.dma_semaphore, #tpu.memory_space<semaphore_mem>>
      %dma_start3A_233 = arith.constant 2560 : i32
      %dma_start3A_234 = tpu.memref_slice %arg9[%dma_start3A_233] : memref<8192xf32, #tpu.memory_space<vmem>> -> memref<512xf32, #tpu.memory_space<vmem>>
      %dma_start3A_235 = tpu.memref_slice %arg5[%add3A_212] : memref<262144xf32, #tpu.memory_space<hbm>> -> memref<512xf32, #tpu.memory_space<hbm>>
      %dma_start3A_236 = tpu.memref_slice %arg5[%add3A_212] : memref<262144xf32, #tpu.memory_space<hbm>> -> memref<512xf32, #tpu.memory_space<hbm>>
      %dma_start3A_237 = arith.constant 2560 : i32
      %dma_start3A_238 = tpu.memref_slice %arg9[%dma_start3A_237] : memref<8192xf32, #tpu.memory_space<vmem>> -> memref<512xf32, #tpu.memory_space<vmem>>
      tpu.enqueue_dma source(%dma_start3A_238 : memref<512xf32, #tpu.memory_space<vmem>>) target(%dma_start3A_236 : memref<512xf32, #tpu.memory_space<hbm>>) target_semaphore(%run_scoped3A : memref<!tpu.dma_semaphore, #tpu.memory_space<semaphore_mem>>)
      %dma_wait3A_239 = arith.constant 2560 : i32
      %dma_wait3A_240 = tpu.memref_slice %arg9[%dma_wait3A_239] : memref<8192xf32, #tpu.memory_space<vmem>> -> memref<512xf32, #tpu.memory_space<vmem>>
      %dma_wait3A_241 = tpu.memref_slice %arg5[%add3A_212] : memref<262144xf32, #tpu.memory_space<hbm>> -> memref<512xf32, #tpu.memory_space<hbm>>
      %dma_wait3A_242 = tpu.memref_slice %arg5[%add3A_212] : memref<262144xf32, #tpu.memory_space<hbm>> -> memref<512xf32, #tpu.memory_space<hbm>>
      %dma_wait3A_243 = arith.constant 2560 : i32
      %dma_wait3A_244 = tpu.memref_slice %arg9[%dma_wait3A_243] : memref<8192xf32, #tpu.memory_space<vmem>> -> memref<512xf32, #tpu.memory_space<vmem>>
      tpu.wait_dma2 semaphore(%run_scoped3A : memref<!tpu.dma_semaphore, #tpu.memory_space<semaphore_mem>>) src(%dma_wait3A_244 : memref<512xf32, #tpu.memory_space<vmem>>) dst(%dma_wait3A_242 : memref<512xf32, #tpu.memory_space<hbm>>)
      tpu.yield
    }) : () -> ()
    %add3A_213 = arith.constant 98304 : i32
    %add3A_214 = arith.addi %add3A_213, %mul3A_2 : i32
    "tpu.region"() ({
      %run_scoped3A = tpu.sem_alloc : memref<!tpu.dma_semaphore, #tpu.memory_space<semaphore_mem>>
      %dma_start3A_233 = arith.constant 3072 : i32
      %dma_start3A_234 = tpu.memref_slice %arg9[%dma_start3A_233] : memref<8192xf32, #tpu.memory_space<vmem>> -> memref<512xf32, #tpu.memory_space<vmem>>
      %dma_start3A_235 = tpu.memref_slice %arg5[%add3A_214] : memref<262144xf32, #tpu.memory_space<hbm>> -> memref<512xf32, #tpu.memory_space<hbm>>
      %dma_start3A_236 = tpu.memref_slice %arg5[%add3A_214] : memref<262144xf32, #tpu.memory_space<hbm>> -> memref<512xf32, #tpu.memory_space<hbm>>
      %dma_start3A_237 = arith.constant 3072 : i32
      %dma_start3A_238 = tpu.memref_slice %arg9[%dma_start3A_237] : memref<8192xf32, #tpu.memory_space<vmem>> -> memref<512xf32, #tpu.memory_space<vmem>>
      tpu.enqueue_dma source(%dma_start3A_238 : memref<512xf32, #tpu.memory_space<vmem>>) target(%dma_start3A_236 : memref<512xf32, #tpu.memory_space<hbm>>) target_semaphore(%run_scoped3A : memref<!tpu.dma_semaphore, #tpu.memory_space<semaphore_mem>>)
      %dma_wait3A_239 = arith.constant 3072 : i32
      %dma_wait3A_240 = tpu.memref_slice %arg9[%dma_wait3A_239] : memref<8192xf32, #tpu.memory_space<vmem>> -> memref<512xf32, #tpu.memory_space<vmem>>
      %dma_wait3A_241 = tpu.memref_slice %arg5[%add3A_214] : memref<262144xf32, #tpu.memory_space<hbm>> -> memref<512xf32, #tpu.memory_space<hbm>>
      %dma_wait3A_242 = tpu.memref_slice %arg5[%add3A_214] : memref<262144xf32, #tpu.memory_space<hbm>> -> memref<512xf32, #tpu.memory_space<hbm>>
      %dma_wait3A_243 = arith.constant 3072 : i32
      %dma_wait3A_244 = tpu.memref_slice %arg9[%dma_wait3A_243] : memref<8192xf32, #tpu.memory_space<vmem>> -> memref<512xf32, #tpu.memory_space<vmem>>
      tpu.wait_dma2 semaphore(%run_scoped3A : memref<!tpu.dma_semaphore, #tpu.memory_space<semaphore_mem>>) src(%dma_wait3A_244 : memref<512xf32, #tpu.memory_space<vmem>>) dst(%dma_wait3A_242 : memref<512xf32, #tpu.memory_space<hbm>>)
      tpu.yield
    }) : () -> ()
    %add3A_215 = arith.constant 114688 : i32
    %add3A_216 = arith.addi %add3A_215, %mul3A_2 : i32
    "tpu.region"() ({
      %run_scoped3A = tpu.sem_alloc : memref<!tpu.dma_semaphore, #tpu.memory_space<semaphore_mem>>
      %dma_start3A_233 = arith.constant 3584 : i32
      %dma_start3A_234 = tpu.memref_slice %arg9[%dma_start3A_233] : memref<8192xf32, #tpu.memory_space<vmem>> -> memref<512xf32, #tpu.memory_space<vmem>>
      %dma_start3A_235 = tpu.memref_slice %arg5[%add3A_216] : memref<262144xf32, #tpu.memory_space<hbm>> -> memref<512xf32, #tpu.memory_space<hbm>>
      %dma_start3A_236 = tpu.memref_slice %arg5[%add3A_216] : memref<262144xf32, #tpu.memory_space<hbm>> -> memref<512xf32, #tpu.memory_space<hbm>>
      %dma_start3A_237 = arith.constant 3584 : i32
      %dma_start3A_238 = tpu.memref_slice %arg9[%dma_start3A_237] : memref<8192xf32, #tpu.memory_space<vmem>> -> memref<512xf32, #tpu.memory_space<vmem>>
      tpu.enqueue_dma source(%dma_start3A_238 : memref<512xf32, #tpu.memory_space<vmem>>) target(%dma_start3A_236 : memref<512xf32, #tpu.memory_space<hbm>>) target_semaphore(%run_scoped3A : memref<!tpu.dma_semaphore, #tpu.memory_space<semaphore_mem>>)
      %dma_wait3A_239 = arith.constant 3584 : i32
      %dma_wait3A_240 = tpu.memref_slice %arg9[%dma_wait3A_239] : memref<8192xf32, #tpu.memory_space<vmem>> -> memref<512xf32, #tpu.memory_space<vmem>>
      %dma_wait3A_241 = tpu.memref_slice %arg5[%add3A_216] : memref<262144xf32, #tpu.memory_space<hbm>> -> memref<512xf32, #tpu.memory_space<hbm>>
      %dma_wait3A_242 = tpu.memref_slice %arg5[%add3A_216] : memref<262144xf32, #tpu.memory_space<hbm>> -> memref<512xf32, #tpu.memory_space<hbm>>
      %dma_wait3A_243 = arith.constant 3584 : i32
      %dma_wait3A_244 = tpu.memref_slice %arg9[%dma_wait3A_243] : memref<8192xf32, #tpu.memory_space<vmem>> -> memref<512xf32, #tpu.memory_space<vmem>>
      tpu.wait_dma2 semaphore(%run_scoped3A : memref<!tpu.dma_semaphore, #tpu.memory_space<semaphore_mem>>) src(%dma_wait3A_244 : memref<512xf32, #tpu.memory_space<vmem>>) dst(%dma_wait3A_242 : memref<512xf32, #tpu.memory_space<hbm>>)
      tpu.yield
    }) : () -> ()
    %add3A_217 = arith.constant 131072 : i32
    %add3A_218 = arith.addi %add3A_217, %mul3A_2 : i32
    "tpu.region"() ({
      %run_scoped3A = tpu.sem_alloc : memref<!tpu.dma_semaphore, #tpu.memory_space<semaphore_mem>>
      %dma_start3A_233 = arith.constant 4096 : i32
      %dma_start3A_234 = tpu.memref_slice %arg9[%dma_start3A_233] : memref<8192xf32, #tpu.memory_space<vmem>> -> memref<512xf32, #tpu.memory_space<vmem>>
      %dma_start3A_235 = tpu.memref_slice %arg5[%add3A_218] : memref<262144xf32, #tpu.memory_space<hbm>> -> memref<512xf32, #tpu.memory_space<hbm>>
      %dma_start3A_236 = tpu.memref_slice %arg5[%add3A_218] : memref<262144xf32, #tpu.memory_space<hbm>> -> memref<512xf32, #tpu.memory_space<hbm>>
      %dma_start3A_237 = arith.constant 4096 : i32
      %dma_start3A_238 = tpu.memref_slice %arg9[%dma_start3A_237] : memref<8192xf32, #tpu.memory_space<vmem>> -> memref<512xf32, #tpu.memory_space<vmem>>
      tpu.enqueue_dma source(%dma_start3A_238 : memref<512xf32, #tpu.memory_space<vmem>>) target(%dma_start3A_236 : memref<512xf32, #tpu.memory_space<hbm>>) target_semaphore(%run_scoped3A : memref<!tpu.dma_semaphore, #tpu.memory_space<semaphore_mem>>)
      %dma_wait3A_239 = arith.constant 4096 : i32
      %dma_wait3A_240 = tpu.memref_slice %arg9[%dma_wait3A_239] : memref<8192xf32, #tpu.memory_space<vmem>> -> memref<512xf32, #tpu.memory_space<vmem>>
      %dma_wait3A_241 = tpu.memref_slice %arg5[%add3A_218] : memref<262144xf32, #tpu.memory_space<hbm>> -> memref<512xf32, #tpu.memory_space<hbm>>
      %dma_wait3A_242 = tpu.memref_slice %arg5[%add3A_218] : memref<262144xf32, #tpu.memory_space<hbm>> -> memref<512xf32, #tpu.memory_space<hbm>>
      %dma_wait3A_243 = arith.constant 4096 : i32
      %dma_wait3A_244 = tpu.memref_slice %arg9[%dma_wait3A_243] : memref<8192xf32, #tpu.memory_space<vmem>> -> memref<512xf32, #tpu.memory_space<vmem>>
      tpu.wait_dma2 semaphore(%run_scoped3A : memref<!tpu.dma_semaphore, #tpu.memory_space<semaphore_mem>>) src(%dma_wait3A_244 : memref<512xf32, #tpu.memory_space<vmem>>) dst(%dma_wait3A_242 : memref<512xf32, #tpu.memory_space<hbm>>)
      tpu.yield
    }) : () -> ()
    %add3A_219 = arith.constant 147456 : i32
    %add3A_220 = arith.addi %add3A_219, %mul3A_2 : i32
    "tpu.region"() ({
      %run_scoped3A = tpu.sem_alloc : memref<!tpu.dma_semaphore, #tpu.memory_space<semaphore_mem>>
      %dma_start3A_233 = arith.constant 4608 : i32
      %dma_start3A_234 = tpu.memref_slice %arg9[%dma_start3A_233] : memref<8192xf32, #tpu.memory_space<vmem>> -> memref<512xf32, #tpu.memory_space<vmem>>
      %dma_start3A_235 = tpu.memref_slice %arg5[%add3A_220] : memref<262144xf32, #tpu.memory_space<hbm>> -> memref<512xf32, #tpu.memory_space<hbm>>
      %dma_start3A_236 = tpu.memref_slice %arg5[%add3A_220] : memref<262144xf32, #tpu.memory_space<hbm>> -> memref<512xf32, #tpu.memory_space<hbm>>
      %dma_start3A_237 = arith.constant 4608 : i32
      %dma_start3A_238 = tpu.memref_slice %arg9[%dma_start3A_237] : memref<8192xf32, #tpu.memory_space<vmem>> -> memref<512xf32, #tpu.memory_space<vmem>>
      tpu.enqueue_dma source(%dma_start3A_238 : memref<512xf32, #tpu.memory_space<vmem>>) target(%dma_start3A_236 : memref<512xf32, #tpu.memory_space<hbm>>) target_semaphore(%run_scoped3A : memref<!tpu.dma_semaphore, #tpu.memory_space<semaphore_mem>>)
      %dma_wait3A_239 = arith.constant 4608 : i32
      %dma_wait3A_240 = tpu.memref_slice %arg9[%dma_wait3A_239] : memref<8192xf32, #tpu.memory_space<vmem>> -> memref<512xf32, #tpu.memory_space<vmem>>
      %dma_wait3A_241 = tpu.memref_slice %arg5[%add3A_220] : memref<262144xf32, #tpu.memory_space<hbm>> -> memref<512xf32, #tpu.memory_space<hbm>>
      %dma_wait3A_242 = tpu.memref_slice %arg5[%add3A_220] : memref<262144xf32, #tpu.memory_space<hbm>> -> memref<512xf32, #tpu.memory_space<hbm>>
      %dma_wait3A_243 = arith.constant 4608 : i32
      %dma_wait3A_244 = tpu.memref_slice %arg9[%dma_wait3A_243] : memref<8192xf32, #tpu.memory_space<vmem>> -> memref<512xf32, #tpu.memory_space<vmem>>
      tpu.wait_dma2 semaphore(%run_scoped3A : memref<!tpu.dma_semaphore, #tpu.memory_space<semaphore_mem>>) src(%dma_wait3A_244 : memref<512xf32, #tpu.memory_space<vmem>>) dst(%dma_wait3A_242 : memref<512xf32, #tpu.memory_space<hbm>>)
      tpu.yield
    }) : () -> ()
    %add3A_221 = arith.constant 163840 : i32
    %add3A_222 = arith.addi %add3A_221, %mul3A_2 : i32
    "tpu.region"() ({
      %run_scoped3A = tpu.sem_alloc : memref<!tpu.dma_semaphore, #tpu.memory_space<semaphore_mem>>
      %dma_start3A_233 = arith.constant 5120 : i32
      %dma_start3A_234 = tpu.memref_slice %arg9[%dma_start3A_233] : memref<8192xf32, #tpu.memory_space<vmem>> -> memref<512xf32, #tpu.memory_space<vmem>>
      %dma_start3A_235 = tpu.memref_slice %arg5[%add3A_222] : memref<262144xf32, #tpu.memory_space<hbm>> -> memref<512xf32, #tpu.memory_space<hbm>>
      %dma_start3A_236 = tpu.memref_slice %arg5[%add3A_222] : memref<262144xf32, #tpu.memory_space<hbm>> -> memref<512xf32, #tpu.memory_space<hbm>>
      %dma_start3A_237 = arith.constant 5120 : i32
      %dma_start3A_238 = tpu.memref_slice %arg9[%dma_start3A_237] : memref<8192xf32, #tpu.memory_space<vmem>> -> memref<512xf32, #tpu.memory_space<vmem>>
      tpu.enqueue_dma source(%dma_start3A_238 : memref<512xf32, #tpu.memory_space<vmem>>) target(%dma_start3A_236 : memref<512xf32, #tpu.memory_space<hbm>>) target_semaphore(%run_scoped3A : memref<!tpu.dma_semaphore, #tpu.memory_space<semaphore_mem>>)
      %dma_wait3A_239 = arith.constant 5120 : i32
      %dma_wait3A_240 = tpu.memref_slice %arg9[%dma_wait3A_239] : memref<8192xf32, #tpu.memory_space<vmem>> -> memref<512xf32, #tpu.memory_space<vmem>>
      %dma_wait3A_241 = tpu.memref_slice %arg5[%add3A_222] : memref<262144xf32, #tpu.memory_space<hbm>> -> memref<512xf32, #tpu.memory_space<hbm>>
      %dma_wait3A_242 = tpu.memref_slice %arg5[%add3A_222] : memref<262144xf32, #tpu.memory_space<hbm>> -> memref<512xf32, #tpu.memory_space<hbm>>
      %dma_wait3A_243 = arith.constant 5120 : i32
      %dma_wait3A_244 = tpu.memref_slice %arg9[%dma_wait3A_243] : memref<8192xf32, #tpu.memory_space<vmem>> -> memref<512xf32, #tpu.memory_space<vmem>>
      tpu.wait_dma2 semaphore(%run_scoped3A : memref<!tpu.dma_semaphore, #tpu.memory_space<semaphore_mem>>) src(%dma_wait3A_244 : memref<512xf32, #tpu.memory_space<vmem>>) dst(%dma_wait3A_242 : memref<512xf32, #tpu.memory_space<hbm>>)
      tpu.yield
    }) : () -> ()
    %add3A_223 = arith.constant 180224 : i32
    %add3A_224 = arith.addi %add3A_223, %mul3A_2 : i32
    "tpu.region"() ({
      %run_scoped3A = tpu.sem_alloc : memref<!tpu.dma_semaphore, #tpu.memory_space<semaphore_mem>>
      %dma_start3A_233 = arith.constant 5632 : i32
      %dma_start3A_234 = tpu.memref_slice %arg9[%dma_start3A_233] : memref<8192xf32, #tpu.memory_space<vmem>> -> memref<512xf32, #tpu.memory_space<vmem>>
      %dma_start3A_235 = tpu.memref_slice %arg5[%add3A_224] : memref<262144xf32, #tpu.memory_space<hbm>> -> memref<512xf32, #tpu.memory_space<hbm>>
      %dma_start3A_236 = tpu.memref_slice %arg5[%add3A_224] : memref<262144xf32, #tpu.memory_space<hbm>> -> memref<512xf32, #tpu.memory_space<hbm>>
      %dma_start3A_237 = arith.constant 5632 : i32
      %dma_start3A_238 = tpu.memref_slice %arg9[%dma_start3A_237] : memref<8192xf32, #tpu.memory_space<vmem>> -> memref<512xf32, #tpu.memory_space<vmem>>
      tpu.enqueue_dma source(%dma_start3A_238 : memref<512xf32, #tpu.memory_space<vmem>>) target(%dma_start3A_236 : memref<512xf32, #tpu.memory_space<hbm>>) target_semaphore(%run_scoped3A : memref<!tpu.dma_semaphore, #tpu.memory_space<semaphore_mem>>)
      %dma_wait3A_239 = arith.constant 5632 : i32
      %dma_wait3A_240 = tpu.memref_slice %arg9[%dma_wait3A_239] : memref<8192xf32, #tpu.memory_space<vmem>> -> memref<512xf32, #tpu.memory_space<vmem>>
      %dma_wait3A_241 = tpu.memref_slice %arg5[%add3A_224] : memref<262144xf32, #tpu.memory_space<hbm>> -> memref<512xf32, #tpu.memory_space<hbm>>
      %dma_wait3A_242 = tpu.memref_slice %arg5[%add3A_224] : memref<262144xf32, #tpu.memory_space<hbm>> -> memref<512xf32, #tpu.memory_space<hbm>>
      %dma_wait3A_243 = arith.constant 5632 : i32
      %dma_wait3A_244 = tpu.memref_slice %arg9[%dma_wait3A_243] : memref<8192xf32, #tpu.memory_space<vmem>> -> memref<512xf32, #tpu.memory_space<vmem>>
      tpu.wait_dma2 semaphore(%run_scoped3A : memref<!tpu.dma_semaphore, #tpu.memory_space<semaphore_mem>>) src(%dma_wait3A_244 : memref<512xf32, #tpu.memory_space<vmem>>) dst(%dma_wait3A_242 : memref<512xf32, #tpu.memory_space<hbm>>)
      tpu.yield
    }) : () -> ()
    %add3A_225 = arith.constant 196608 : i32
    %add3A_226 = arith.addi %add3A_225, %mul3A_2 : i32
    "tpu.region"() ({
      %run_scoped3A = tpu.sem_alloc : memref<!tpu.dma_semaphore, #tpu.memory_space<semaphore_mem>>
      %dma_start3A_233 = arith.constant 6144 : i32
      %dma_start3A_234 = tpu.memref_slice %arg9[%dma_start3A_233] : memref<8192xf32, #tpu.memory_space<vmem>> -> memref<512xf32, #tpu.memory_space<vmem>>
      %dma_start3A_235 = tpu.memref_slice %arg5[%add3A_226] : memref<262144xf32, #tpu.memory_space<hbm>> -> memref<512xf32, #tpu.memory_space<hbm>>
      %dma_start3A_236 = tpu.memref_slice %arg5[%add3A_226] : memref<262144xf32, #tpu.memory_space<hbm>> -> memref<512xf32, #tpu.memory_space<hbm>>
      %dma_start3A_237 = arith.constant 6144 : i32
      %dma_start3A_238 = tpu.memref_slice %arg9[%dma_start3A_237] : memref<8192xf32, #tpu.memory_space<vmem>> -> memref<512xf32, #tpu.memory_space<vmem>>
      tpu.enqueue_dma source(%dma_start3A_238 : memref<512xf32, #tpu.memory_space<vmem>>) target(%dma_start3A_236 : memref<512xf32, #tpu.memory_space<hbm>>) target_semaphore(%run_scoped3A : memref<!tpu.dma_semaphore, #tpu.memory_space<semaphore_mem>>)
      %dma_wait3A_239 = arith.constant 6144 : i32
      %dma_wait3A_240 = tpu.memref_slice %arg9[%dma_wait3A_239] : memref<8192xf32, #tpu.memory_space<vmem>> -> memref<512xf32, #tpu.memory_space<vmem>>
      %dma_wait3A_241 = tpu.memref_slice %arg5[%add3A_226] : memref<262144xf32, #tpu.memory_space<hbm>> -> memref<512xf32, #tpu.memory_space<hbm>>
      %dma_wait3A_242 = tpu.memref_slice %arg5[%add3A_226] : memref<262144xf32, #tpu.memory_space<hbm>> -> memref<512xf32, #tpu.memory_space<hbm>>
      %dma_wait3A_243 = arith.constant 6144 : i32
      %dma_wait3A_244 = tpu.memref_slice %arg9[%dma_wait3A_243] : memref<8192xf32, #tpu.memory_space<vmem>> -> memref<512xf32, #tpu.memory_space<vmem>>
      tpu.wait_dma2 semaphore(%run_scoped3A : memref<!tpu.dma_semaphore, #tpu.memory_space<semaphore_mem>>) src(%dma_wait3A_244 : memref<512xf32, #tpu.memory_space<vmem>>) dst(%dma_wait3A_242 : memref<512xf32, #tpu.memory_space<hbm>>)
      tpu.yield
    }) : () -> ()
    %add3A_227 = arith.constant 212992 : i32
    %add3A_228 = arith.addi %add3A_227, %mul3A_2 : i32
    "tpu.region"() ({
      %run_scoped3A = tpu.sem_alloc : memref<!tpu.dma_semaphore, #tpu.memory_space<semaphore_mem>>
      %dma_start3A_233 = arith.constant 6656 : i32
      %dma_start3A_234 = tpu.memref_slice %arg9[%dma_start3A_233] : memref<8192xf32, #tpu.memory_space<vmem>> -> memref<512xf32, #tpu.memory_space<vmem>>
      %dma_start3A_235 = tpu.memref_slice %arg5[%add3A_228] : memref<262144xf32, #tpu.memory_space<hbm>> -> memref<512xf32, #tpu.memory_space<hbm>>
      %dma_start3A_236 = tpu.memref_slice %arg5[%add3A_228] : memref<262144xf32, #tpu.memory_space<hbm>> -> memref<512xf32, #tpu.memory_space<hbm>>
      %dma_start3A_237 = arith.constant 6656 : i32
      %dma_start3A_238 = tpu.memref_slice %arg9[%dma_start3A_237] : memref<8192xf32, #tpu.memory_space<vmem>> -> memref<512xf32, #tpu.memory_space<vmem>>
      tpu.enqueue_dma source(%dma_start3A_238 : memref<512xf32, #tpu.memory_space<vmem>>) target(%dma_start3A_236 : memref<512xf32, #tpu.memory_space<hbm>>) target_semaphore(%run_scoped3A : memref<!tpu.dma_semaphore, #tpu.memory_space<semaphore_mem>>)
      %dma_wait3A_239 = arith.constant 6656 : i32
      %dma_wait3A_240 = tpu.memref_slice %arg9[%dma_wait3A_239] : memref<8192xf32, #tpu.memory_space<vmem>> -> memref<512xf32, #tpu.memory_space<vmem>>
      %dma_wait3A_241 = tpu.memref_slice %arg5[%add3A_228] : memref<262144xf32, #tpu.memory_space<hbm>> -> memref<512xf32, #tpu.memory_space<hbm>>
      %dma_wait3A_242 = tpu.memref_slice %arg5[%add3A_228] : memref<262144xf32, #tpu.memory_space<hbm>> -> memref<512xf32, #tpu.memory_space<hbm>>
      %dma_wait3A_243 = arith.constant 6656 : i32
      %dma_wait3A_244 = tpu.memref_slice %arg9[%dma_wait3A_243] : memref<8192xf32, #tpu.memory_space<vmem>> -> memref<512xf32, #tpu.memory_space<vmem>>
      tpu.wait_dma2 semaphore(%run_scoped3A : memref<!tpu.dma_semaphore, #tpu.memory_space<semaphore_mem>>) src(%dma_wait3A_244 : memref<512xf32, #tpu.memory_space<vmem>>) dst(%dma_wait3A_242 : memref<512xf32, #tpu.memory_space<hbm>>)
      tpu.yield
    }) : () -> ()
    %add3A_229 = arith.constant 229376 : i32
    %add3A_230 = arith.addi %add3A_229, %mul3A_2 : i32
    "tpu.region"() ({
      %run_scoped3A = tpu.sem_alloc : memref<!tpu.dma_semaphore, #tpu.memory_space<semaphore_mem>>
      %dma_start3A_233 = arith.constant 7168 : i32
      %dma_start3A_234 = tpu.memref_slice %arg9[%dma_start3A_233] : memref<8192xf32, #tpu.memory_space<vmem>> -> memref<512xf32, #tpu.memory_space<vmem>>
      %dma_start3A_235 = tpu.memref_slice %arg5[%add3A_230] : memref<262144xf32, #tpu.memory_space<hbm>> -> memref<512xf32, #tpu.memory_space<hbm>>
      %dma_start3A_236 = tpu.memref_slice %arg5[%add3A_230] : memref<262144xf32, #tpu.memory_space<hbm>> -> memref<512xf32, #tpu.memory_space<hbm>>
      %dma_start3A_237 = arith.constant 7168 : i32
      %dma_start3A_238 = tpu.memref_slice %arg9[%dma_start3A_237] : memref<8192xf32, #tpu.memory_space<vmem>> -> memref<512xf32, #tpu.memory_space<vmem>>
      tpu.enqueue_dma source(%dma_start3A_238 : memref<512xf32, #tpu.memory_space<vmem>>) target(%dma_start3A_236 : memref<512xf32, #tpu.memory_space<hbm>>) target_semaphore(%run_scoped3A : memref<!tpu.dma_semaphore, #tpu.memory_space<semaphore_mem>>)
      %dma_wait3A_239 = arith.constant 7168 : i32
      %dma_wait3A_240 = tpu.memref_slice %arg9[%dma_wait3A_239] : memref<8192xf32, #tpu.memory_space<vmem>> -> memref<512xf32, #tpu.memory_space<vmem>>
      %dma_wait3A_241 = tpu.memref_slice %arg5[%add3A_230] : memref<262144xf32, #tpu.memory_space<hbm>> -> memref<512xf32, #tpu.memory_space<hbm>>
      %dma_wait3A_242 = tpu.memref_slice %arg5[%add3A_230] : memref<262144xf32, #tpu.memory_space<hbm>> -> memref<512xf32, #tpu.memory_space<hbm>>
      %dma_wait3A_243 = arith.constant 7168 : i32
      %dma_wait3A_244 = tpu.memref_slice %arg9[%dma_wait3A_243] : memref<8192xf32, #tpu.memory_space<vmem>> -> memref<512xf32, #tpu.memory_space<vmem>>
      tpu.wait_dma2 semaphore(%run_scoped3A : memref<!tpu.dma_semaphore, #tpu.memory_space<semaphore_mem>>) src(%dma_wait3A_244 : memref<512xf32, #tpu.memory_space<vmem>>) dst(%dma_wait3A_242 : memref<512xf32, #tpu.memory_space<hbm>>)
      tpu.yield
    }) : () -> ()
    %add3A_231 = arith.constant 245760 : i32
    %add3A_232 = arith.addi %add3A_231, %mul3A_2 : i32
    "tpu.region"() ({
      %run_scoped3A = tpu.sem_alloc : memref<!tpu.dma_semaphore, #tpu.memory_space<semaphore_mem>>
      %dma_start3A_233 = arith.constant 7680 : i32
      %dma_start3A_234 = tpu.memref_slice %arg9[%dma_start3A_233] : memref<8192xf32, #tpu.memory_space<vmem>> -> memref<512xf32, #tpu.memory_space<vmem>>
      %dma_start3A_235 = tpu.memref_slice %arg5[%add3A_232] : memref<262144xf32, #tpu.memory_space<hbm>> -> memref<512xf32, #tpu.memory_space<hbm>>
      %dma_start3A_236 = tpu.memref_slice %arg5[%add3A_232] : memref<262144xf32, #tpu.memory_space<hbm>> -> memref<512xf32, #tpu.memory_space<hbm>>
      %dma_start3A_237 = arith.constant 7680 : i32
      %dma_start3A_238 = tpu.memref_slice %arg9[%dma_start3A_237] : memref<8192xf32, #tpu.memory_space<vmem>> -> memref<512xf32, #tpu.memory_space<vmem>>
      tpu.enqueue_dma source(%dma_start3A_238 : memref<512xf32, #tpu.memory_space<vmem>>) target(%dma_start3A_236 : memref<512xf32, #tpu.memory_space<hbm>>) target_semaphore(%run_scoped3A : memref<!tpu.dma_semaphore, #tpu.memory_space<semaphore_mem>>)
      %dma_wait3A_239 = arith.constant 7680 : i32
      %dma_wait3A_240 = tpu.memref_slice %arg9[%dma_wait3A_239] : memref<8192xf32, #tpu.memory_space<vmem>> -> memref<512xf32, #tpu.memory_space<vmem>>
      %dma_wait3A_241 = tpu.memref_slice %arg5[%add3A_232] : memref<262144xf32, #tpu.memory_space<hbm>> -> memref<512xf32, #tpu.memory_space<hbm>>
      %dma_wait3A_242 = tpu.memref_slice %arg5[%add3A_232] : memref<262144xf32, #tpu.memory_space<hbm>> -> memref<512xf32, #tpu.memory_space<hbm>>
      %dma_wait3A_243 = arith.constant 7680 : i32
      %dma_wait3A_244 = tpu.memref_slice %arg9[%dma_wait3A_243] : memref<8192xf32, #tpu.memory_space<vmem>> -> memref<512xf32, #tpu.memory_space<vmem>>
      tpu.wait_dma2 semaphore(%run_scoped3A : memref<!tpu.dma_semaphore, #tpu.memory_space<semaphore_mem>>) src(%dma_wait3A_244 : memref<512xf32, #tpu.memory_space<vmem>>) dst(%dma_wait3A_242 : memref<512xf32, #tpu.memory_space<hbm>>)
      tpu.yield
    }) : () -> ()
    "tpu.region"() ({
      %run_scoped3A = tpu.sem_alloc : memref<!tpu.dma_semaphore, #tpu.memory_space<semaphore_mem>>
      %dma_start3A_233 = tpu.memref_slice %arg6[%mul3A_2] : memref<16384xf32, #tpu.memory_space<hbm>> -> memref<512xf32, #tpu.memory_space<hbm>>
      %dma_start3A_234 = tpu.memref_slice %arg6[%mul3A_2] : memref<16384xf32, #tpu.memory_space<hbm>> -> memref<512xf32, #tpu.memory_space<hbm>>
      tpu.enqueue_dma source(%arg10 : memref<512xf32, #tpu.memory_space<vmem>>) target(%dma_start3A_234 : memref<512xf32, #tpu.memory_space<hbm>>) target_semaphore(%run_scoped3A : memref<!tpu.dma_semaphore, #tpu.memory_space<semaphore_mem>>)
      %dma_wait3A_235 = tpu.memref_slice %arg6[%mul3A_2] : memref<16384xf32, #tpu.memory_space<hbm>> -> memref<512xf32, #tpu.memory_space<hbm>>
      %dma_wait3A_236 = tpu.memref_slice %arg6[%mul3A_2] : memref<16384xf32, #tpu.memory_space<hbm>> -> memref<512xf32, #tpu.memory_space<hbm>>
      tpu.wait_dma2 semaphore(%run_scoped3A : memref<!tpu.dma_semaphore, #tpu.memory_space<semaphore_mem>>) src(%arg10 : memref<512xf32, #tpu.memory_space<vmem>>) dst(%dma_wait3A_236 : memref<512xf32, #tpu.memory_space<hbm>>)
      tpu.yield
    }) : () -> ()
    return
  }
}

</mosaic_0001>

<sc_bundles>
// kernel: kernel.3.cloned.1.call-start
scs
__scs_entry_jumppad:
0x0: {  	(pc) =	sbr.rel $0x88, $3  }
0x1: {  	(tag) =	ssettag $0x0;
	lr =	simm.s32 $0x1  }
0x2: {  	[smem:$0x3F9E] =	sst lr;
	_ =	strace $0xD0000000  }
0x3: {  	_ = 	snop  }
0x4: {  	_ = 	snop  }
0x5: {  	_ = 	snop  }
0x6: {  	_ = 	snop  }
0x7: {  	_ = 	snop  }
__scs_overlays_trampoline_lowered:
0x8: {  	[smem:$0x3FAD] =	sst s0  }
0x9: {  	[smem:$0x3FAE] =	sst s1  }
0xa: {  	[smem:$0x3FAF] =	sst s2  }
0xb: {  	[smem:$0x3FB0] =	sst s3  }
0xc: {  	[smem:$0x3FB1] =	sst s4  }
0xd: {  	[smem:$0x3FB2] =	sst s5  }
0xe: {  	[smem:$0x3FB3] =	sst s6  }
0xf: {  	[smem:$0x3FB4] =	sst s7  }
0x10: {  	[smem:$0x3FB5] =	sst s8  }
0x11: {  	[smem:$0x3FB6] =	sst s9;
	s0 =	simm.s32 @!p0 $0x0  }
0x12: {  	s1 =	sld [smem:$0x3F9C];
	s0 =	simm.s32 @p0 $0x1  }
0x13: {  	[smem:$0x3FB7] =	sst s0;
	s0 =	simm.s32 @!p1 $0x0  }
0x14: {  	s2 =	sld [smem:$0x3F9B];
	s0 =	simm.s32 @p1 $0x1  }
0x15: {  	[smem:$0x3FB8] =	sst s0;
	s0 =	simm.s32 @!p2 $0x0  }
0x16: {  	s3 =	sld [smem:$0x3FDB];
	s0 =	simm.s32 @p2 $0x1  }
0x17: {  	s4 =	simm.s32 $0x1BF5;
	[smem:$0x3FBA] =	sst s0  }
0x18: {  	s0 =	sld [smem:$0x3F9D];
	_ =	swait.ge [sflag:s4], $0x0  }
0x19: {  	s7 =	sld [smem:$0x3F9E]  }
0x1a: {  	s8 =	sadd.s32 $0xFFFFE003, lr  }
0x1b: {  	s9 =	sadd.s32 $0xFFFFFEF7, lr;
	s5 =	simm.s32 $0xFFFFFFFF;
	p2 =	slt.u32 s8, $0xFFFFF086  }
0x1c: {  	p1 =	slt.u32 s9, $0xF7A;
	s5 =	simm.s32 @!p2 $0x0  }
0x1d: {  	s5 =	simm.s32 @p1 $0x1;
	p0 =	seq.s32 s7, s2  }
0x1e: {  	s7 =	smul.u32 @!p0 $0xF7A, s2;
	p2 =	seq.s32 @!p0 s5, $0x0  }
0x1f: {  	s9 =	smul.u32 $0xF7A, s1;
	s8 =	simm.s32 @!p0 $0x1BF5;
	p2 =	por !p2, p0  }
0x20: {  	[sflag:s8] =	ssyncset.s32 @!p0 $0xFFFFF086;
	s6 =	sadd.s32 @!p0 s3, s7;
	s7 =	simm.s32 @!p0 $0x108  }
0x21: {  	s3 =	sadd.s32 s3, s9;
	s6 =	sadd.s32 @!p0 $0x88, s6;
	s7 =	simm.s32 @p2 $0x1082  }
0x22: {  	[simem:s7], [sflag:s8] =	dma.local @!p0 [hbm:s6], $0xF7A  }
0x23: {  	s9 =	sor.u32 $0xD0000000, s2;
	s6 =	simm.s32 $0x108;
	_ =	swait.ge @!p0 [sflag:s8], $0x0  }
0x24: {  	s3 =	sadd.s32 $0x88, s3;
	s6 =	simm.s32 @!p1 $0x1082;
	[sflag:s4] =	ssyncset.s32 $0xFFFFF086  }
0x25: {  	[simem:s6], [sflag:s4] =	dma.local [hbm:s3], $0xF7A  }
0x26: {  	[smem:$0x3F9E] =	sst s1;
	(tag) =	ssettag s2;
	_ =	strace s9  }
0x27: {  	s1 =	sld [smem:$0x3FAE]  }
0x28: {  	s2 =	sld [smem:$0x3FAF]  }
0x29: {  	s4 =	sld [smem:$0x3FB1]  }
0x2a: {  	p0 =	seq.s32 s5, $0x0;
	s5 =	sld [smem:$0x3FB2]  }
0x2b: {  	s6 =	sld [smem:$0x3FB3]  }
0x2c: {  	s7 =	sld [smem:$0x3FB4]  }
0x2d: {  	s3 =	simm.s32 $0x108;
	s8 =	sld [smem:$0x3FB5]  }
0x2e: {  	s3 =	simm.s32 @!p0 $0x1082;
	s9 =	sld [smem:$0x3FB6]  }
0x2f: {  	lr =	sadd.s32 s0, s3;
	s0 =	sld [smem:$0x3FAD]  }
0x30: {  	s3 =	sld [smem:$0x3FB0]  }
0x31: {  	[smem:$0x3FB9] =	sst s10  }
0x32: {  	s10 =	sld [smem:$0x3FB7];
	_ =	sdelay $0x3  }
0x33: {  	p0 =	seq.s32 s10, $0x1;
	s10 =	sld [smem:$0x3FB9];
	_ =	sdelay $0x3  }
0x34: {  	[smem:$0x3FB9] =	sst s10  }
0x35: {  	s10 =	sld [smem:$0x3FB8];
	_ =	sdelay $0x3  }
0x36: {  	p1 =	seq.s32 s10, $0x1;
	s10 =	sld [smem:$0x3FB9];
	_ =	sdelay $0x3  }
0x37: {  	[smem:$0x3FB9] =	sst s10  }
0x38: {  	s10 =	sld [smem:$0x3FBA]  }
0x39: {  	_ = 	snop;
	(pc) =	sbr.ind lr, $3  }
0x3a: {  	_ = 	snop  }
0x3b: {  	_ = 	snop  }
0x3c: {  	p2 =	seq.s32 s10, $0x1;
	s10 =	sld [smem:$0x3FB9]  }
0x3d: {  	_ =	shalt  }
0x3e: {  	_ =	shalt  }
0x3f: {  	_ =	shalt  }
0x40: {  	_ =	shalt  }
0x41: {  	_ =	shalt  }
0x42: {  	_ =	shalt  }
0x43: {  	_ =	shalt  }
0x44: {  	_ =	shalt  }
0x45: {  	_ =	shalt  }
0x46: {  	_ =	shalt  }
0x47: {  	_ =	shalt  }
0x48: {  	_ =	shalt  }
0x49: {  	_ =	shalt  }
0x4a: {  	_ =	shalt  }
0x4b: {  	_ =	shalt  }
0x4c: {  	_ =	shalt  }
0x4d: {  	_ =	shalt  }
0x4e: {  	_ =	shalt  }
0x4f: {  	_ =	shalt  }
0x50: {  	_ =	shalt  }
0x51: {  	_ =	shalt  }
0x52: {  	_ =	shalt  }
0x53: {  	_ =	shalt  }
0x54: {  	_ =	shalt  }
0x55: {  	_ =	shalt  }
0x56: {  	_ =	shalt  }
0x57: {  	_ =	shalt  }
0x58: {  	_ =	shalt  }
0x59: {  	_ =	shalt  }
0x5a: {  	_ =	shalt  }
0x5b: {  	_ =	shalt  }
0x5c: {  	_ =	shalt  }
0x5d: {  	_ =	shalt  }
0x5e: {  	_ =	shalt  }
0x5f: {  	_ =	shalt  }
0x60: {  	_ =	shalt  }
0x61: {  	_ =	shalt  }
0x62: {  	_ =	shalt  }
0x63: {  	_ =	shalt  }
0x64: {  	_ =	shalt  }
0x65: {  	_ =	shalt  }
0x66: {  	_ =	shalt  }
0x67: {  	_ =	shalt  }
0x68: {  	_ =	shalt  }
0x69: {  	_ =	shalt  }
0x6a: {  	_ =	shalt  }
0x6b: {  	_ =	shalt  }
0x6c: {  	_ =	shalt  }
0x6d: {  	_ =	shalt  }
0x6e: {  	_ =	shalt  }
0x6f: {  	_ =	shalt  }
0x70: {  	_ =	shalt  }
0x71: {  	_ =	shalt  }
0x72: {  	_ =	shalt  }
0x73: {  	_ =	shalt  }
0x74: {  	_ =	shalt  }
0x75: {  	_ =	shalt  }
0x76: {  	_ =	shalt  }
0x77: {  	_ =	shalt  }
0x78: {  	_ =	shalt  }
0x79: {  	_ =	shalt  }
0x7a: {  	_ =	shalt  }
0x7b: {  	_ =	shalt  }
0x7c: {  	_ =	shalt  }
0x7d: {  	_ =	shalt  }
0x7e: {  	_ =	shalt  }
0x7f: {  	_ =	shalt  }
0x80: {  	_ =	shalt  }
0x81: {  	_ =	shalt  }
0x82: {  	_ =	shalt  }
0x83: {  	_ =	shalt  }
0x84: {  	_ =	shalt  }
0x85: {  	_ =	shalt  }
0x86: {  	_ =	shalt  }
0x87: {  	_ =	shalt  }
.Lfunc_end0:
.L_simem_size_0:
called_computation_lowered:
.L_overlay_start_0:
0x88: {  	s2 =	sld [smem:$0x3FD9]  }
0x89: {  	s3 =	sld [smem:$0x3FFE];
	_ =	sdelay $0x1  }
0x8a: {  	s1 =	srdreg.scid  }
0x8b: {  	s0 =	sand.u32 $0x1, s1  }
0x8c: {  	s14 =	sshll.u32 s0, $0xA;
	s2 =	sadd.s32 s3, s2  }
0x8d: {  	s2 =	sadd.s32 s2, s14  }
0x8e: {  	[smem:$0x3FC5] =	sst s2  }
0x8f: {  	_ = 	snop  }
0x90: {  	s2 =	sld [smem:$0x3FD0];
	_ =	sdelay $0x2  }
0x91: {  	s4 =	simm.s32 $0xA;
	s5 =	simm.s32 $0x10;
	s15 =	sld [smem:$0x3FC9]  }
0x92: {  	[smem:s5], [sflag:s4] =	dma.local [hbm:s2], $0x1  }
0x93: {  	_ =	swait.eq [sflag:s4], $0x1  }
0x94: {  	[sflag:s4] =	ssyncset.done $0x0  }
0x95: {  	[sflag:s4] =	ssyncadd.s32 $0xFFFFFFFF  }
0x96: {  	s16 =	sld [smem:$0x11];
	(tm) =	ssettm $0x1  }
0x97: {  	s17 =	sld [smem:$0x3FFB];
	_ =	sdelay $0x3  }
0x98: {  	_ =	strace s17  }
0x99: {  	s4 =	sld [smem:$0x3FFC];
	_ =	sdelay $0x3  }
0x9a: {  	_ =	strace s4  }
0x9b: {  	s4 =	sld [smem:$0x3FFD];
	_ =	sdelay $0x3  }
0x9c: {  	_ =	strace s4  }
0x9d: {  	_ =	strace $0x8FFFFFFF  }
0x9e: {  	s18 =	sld [smem:$0x3FDB];
	_ =	sdelay $0x1  }
0x9f: {  	s19 =	simm.s32 $_scs_section_size  }
0xa0: {  	s6 =	simm.s32 $_size__tile_overlayer_lowered;
	s7 =	simm.s32 $_tile_overlayer_lowered  }
0xa1: {  	s22 =	simm.s32 $0x1BFF;
	s21 =	sshll.u32 s7, $0x1;
	s4 =	sadd.s32 s19, s18  }
0xa2: {  	s8 =	simm.s32 $0x0;
	s20 =	sshll.u32 s6, $0x1;
	s6 =	sadd.s32 s21, s4  }
0xa3: {  	[timem:s8], [sflag:s22] =	dma.local [hbm:s6], s20  }
0xa4: {  	_ =	swait.ge [sflag:s22], s20  }
0xa5: {  	s5 =	ssub.s32 $0x0, s20;
	[sflag:s22] =	ssyncset.done $0x0  }
0xa6: {  	[sflag:s22] =	ssyncadd.s32 s5;
	_ =	sdelay $0x1  }
0xa7: {  	s23 =	simm.s32 $0x1B8B  }
0xa8: {  	_ =	swait.ge [sflag:s23], $0x1  }
0xa9: {  	[sflag:s23] =	ssyncset.done $0x0  }
0xaa: {  	s25 =	simm.s32 $0x1B8E;
	s24 =	sld [smem:$0x3FFE];
	[sflag:s23] =	ssyncadd.s32 $0xFFFFFFFF  }
0xab: {  	s26 =	simm.s32 $execute0_lowered;
	[smem:$0x3FD2] =	sst s25  }
0xac: {  	s6 =	sshll.u32 s26, $0x1;
	_ =	strace $0x80000046;
	[dreg:$0x1] =	wrdreg $0xFFFFFFFF  }
0xad: {  	s28 =	simm.s32 $_size_execute0_lowered;
	s4 =	sadd.s32 s4, s6;
	[dreg:$0x0] =	wrdreg $0x0  }
0xae: {  	s6 =	sshll.u32 s28, $0x1;
	[dreg:$0x2] =	wrdreg s4  }
0xaf: {  	[dreg:$0x3] =	wrdreg s6  }
0xb0: {  	[dreg:$0x4] =	wrdreg $0xC0  }
0xb1: {  	_ =	task [dreg:s8], $0x5FFFF  }
0xb2: {  	[dreg:$0x1] =	wrdreg $0xFFFFFFFF  }
0xb3: {  	[dreg:$0x0] =	wrdreg $0x60  }
0xb4: {  	[dreg:$0x2] =	wrdreg s15  }
0xb5: {  	[dreg:$0x3] =	wrdreg s24  }
0xb6: {  	[dreg:$0x4] =	wrdreg s16  }
0xb7: {  	[dreg:$0x5] =	wrdreg $0x9  }
0xb8: {  	_ =	task.clear_ibuf [dreg:s8], $0x6FFFF;
	_ =	strace $0x90000046  }
0xb9: {  	s29 =	simm.s32 $0x9;
	_ =	strace $0x80000048  }
0xba: {  	_ =	swait.ge [sflag:s29], $0x1  }
0xbb: {  	[sflag:s29] =	ssyncadd.s32 $0xFFFFFFFF  }
0xbc: {  	_ =	strace $0x90000048  }
0xbd: {  	_ =	sfence  }
0xbe: {  	s30 =	sld [smem:$0x0];
	_ =	sdelay $0x2  }
0xbf: {  	s31 =	sshll.u32 s1, $0xD;
	s1 =	sshrl.u32 s1, $0x2  }
0xc0: {  	s3 =	sand.u32 $0x4000, s31;
	s1 =	sadd.s32 s1, s30  }
0xc1: {  	s0 =	sor.u32 s3, s0;
	s1 =	sshll.u32 s1, $0x11  }
0xc2: {  	s0 =	sor.u32 s1, s0  }
0xc3: {  	s0 =	sadd.s32 $0x8F2B, s0  }
0xc4: {  	[sflag:s0] =	ssyncadd.remote.s32 $0x1  }
0xc5: {  	_ =	sfence.sel $0xFFFF  }
0xc6: {  	[dreg:$0x0] =	wrdreg $0xFFFFFFFF;
	(pc) =	sbr.abs _section_cstart, $3  }
0xc7: {  	[dreg:$0x1] =	wrdreg $0xFFFFFFFF  }
0xc8: {  	_ =	task.clear_ibuf [dreg:s8], $0x2FFFF;
	_ =	strace $0x9FFFFFFF  }
0xc9: {  	(tm) =	ssettm $0x7FFFFFFF  }
tec
execute0_lowered:
.L_overlay_start_1:
0x0: {  	(tag) =	ssettag $0x1  }
0x1: {  	s0 =	rddreg [dreg:$0x0]  }
0x2: {  	s2 =	rddreg [dreg:$0x1]  }
0x3: {  	s4 =	rddreg [dreg:$0x2];
	s1 =	simm.s32 $0x0  }
0x4: {  	[smem:$0x7FF] =	sst s1;
	s3 =	sadd.s32 $0x1EE00, s2  }
0x5: {  	s5 =	sadd.s32 $0x400, s2;
	_ =	strace $0x80000047;
	[dreg:$0x4] =	wrdreg s3  }
0x6: {  	s6 =	sadd.s32 $0x1EE10, s2;
	[dreg:$0x5] =	wrdreg s5  }
0x7: {  	s18 =	sadd.s32 $0x1EE20, s2;
	[dreg:$0x6] =	wrdreg s6  }
0x8: {  	s19 =	sadd.s32 $0x1EE30, s2;
	[dreg:$0x7] =	wrdreg s18  }
0x9: {  	s20 =	sadd.s32 $0x1EE40, s2;
	[dreg:$0x8] =	wrdreg s19  }
0xa: {  	s21 =	sadd.s32 $0x1EE50, s2;
	[dreg:$0x9] =	wrdreg s20  }
0xb: {  	s22 =	sadd.s32 $0x1EE60, s2;
	[dreg:$0xa] =	wrdreg s21  }
0xc: {  	s16 =	srdreg.scid;
	s23 =	sadd.s32 $0x1EE70, s2;
	[dreg:$0xb] =	wrdreg s22  }
0xd: {  	s17 =	stileid.u32;
	s24 =	sadd.s32 $0x113080, s2;
	[dreg:$0xc] =	wrdreg s23  }
0xe: {  	s28 =	simm.s32 $0x2200;
	s7 =	sadd.s32 $0x113090, s2;
	[dreg:$0xd] =	wrdreg s24  }
0xf: {  	s29 =	simm.s32 $0x1;
	s26 =	sadd.s32 $0x1130A0, s2;
	[dreg:$0xe] =	wrdreg s7  }
0x10: {  	s8 =	sadd.s32 $0x1130C0, s2;
	s10 =	sadd.s32 $0x1130D0, s2;
	[dreg:$0xf] =	wrdreg s26  }
0x11: {  	s11 =	sadd.s32 $0x1130E0, s2;
	s3 =	sand.u32 $0x1, s16;
	[dreg:$0x11] =	wrdreg s8  }
0x12: {  	s5 =	sshll.u32 s17, $0x7;
	[dreg:$0x12] =	wrdreg s10;
	s25 =	sshll.u32 s3, $0x6  }
0x13: {  	s7 =	sadd.s32 $0x1130B0, s2;
	[dreg:$0x13] =	wrdreg s11;
	s5 =	sor.u32 s25, s5  }
0x14: {  	[dreg:$0x10] =	wrdreg s7;
	s9 =	sadd.s32 s5, s2;
	s2 =	sadd.s32 $0x1130F0, s2  }
0x15: {  	s30 =	simm.s32 $0x2;
	s0 =	sadd.s32 s0, s5;
	[dreg:$0x14] =	wrdreg s2  }
0x16: {  	s31 =	simm.s32 $0x0;
	s12 =	sadd.s32 $0x207400, s9;
	[smem:$0x7FB] =	sst s0  }
0x17: {  	s10 =	simm.s32 $0x200;
	s13 =	sadd.s32 $0x207C00, s9;
	[dreg:$0x15] =	wrdreg s12  }
0x18: {  	s11 =	simm.s32 $0x2400;
	s14 =	sadd.s32 $0x208400, s9;
	[dreg:$0x16] =	wrdreg s13  }
0x19: {  	s17 =	ssub.s32 $0x2, s3;
	s15 =	sadd.s32 $0x208C00, s9;
	[dreg:$0x17] =	wrdreg s14  }
0x1a: {  	s20 =	sshrl.u32 s17, $0x1;
	s16 =	sadd.s32 $0x209400, s9;
	[dreg:$0x18] =	wrdreg s15  }
0x1b: {  	s4 =	sadd.s32 s4, s5;
	s18 =	sadd.s32 $0x209C00, s9;
	[dreg:$0x19] =	wrdreg s16  }
0x1c: {  	s19 =	sadd.s32 $0x20A400, s9;
	s21 =	sadd.s32 $0x20AC00, s9;
	[dreg:$0x1a] =	wrdreg s18  }
0x1d: {  	s22 =	sadd.s32 $0x20B400, s9;
	s2 =	ssub.s32 s17, s20;
	[dreg:$0x1b] =	wrdreg s19  }
0x1e: {  	s23 =	sadd.s32 $0x20BC00, s9;
	s24 =	sadd.s32 $0x20C400, s9;
	[dreg:$0x1c] =	wrdreg s21  }
0x1f: {  	s25 =	sadd.s32 $0x20CC00, s9;
	s26 =	sadd.s32 $0x20D400, s9;
	[dreg:$0x1d] =	wrdreg s22  }
0x20: {  	s5 =	sadd.s32 $0x20DC00, s9;
	s6 =	sadd.s32 $0x20E400, s9;
	[dreg:$0x1e] =	wrdreg s23  }
0x21: {  	s7 =	sadd.s32 $0x20EC00, s9;
	s9 =	simm.s32 $0x3;
	[dreg:$0x1f] =	wrdreg s24  }
0x22: {  	s17 =	simm.s32 $0xE00;
	s20 =	simm.s32 $0x1400;
	[smem:$0x7FC] =	sst s25  }
0x23: {  	[smem:$0x7FD] =	sst s26;
	s8 =	smax.u32 s2, $0x1;
	s12 =	simm.s32 $0x400  }
0x24: {  	s13 =	simm.s32 $0x600;
	s14 =	simm.s32 $0x800;
	s15 =	simm.s32 $0xA00  }
0x25: {  	s16 =	simm.s32 $0xC00;
	s18 =	simm.s32 $0x1000;
	s19 =	simm.s32 $0x1200  }
0x26: {  	s21 =	simm.s32 $0x1600;
	s22 =	simm.s32 $0x1800;
	s23 =	simm.s32 $0x1A00  }
0x27: {  	s24 =	simm.s32 $0x1C00;
	s25 =	simm.s32 $0x1E00;
	s26 =	simm.s32 $0x2000  }
.LBB2_1:
0x28: {  	s0 =	sld [smem:$0x7FB];
	_ =	sdelay $0x2  }
0x29: {  	[tilespmem:s1], [sflag:$0x3] =	stream.linear.gather [hbm4b:s0+s1], $0x200, $0x38;
	[tilespmem:$0x2600] =	vst v63  }
0x2a: {  	_ =	swait.ge [sflag:s9], $0x200  }
0x2b: {  	[sflag:s9] =	ssyncset.done $0x0  }
0x2c: {  	s0 =	simm.s32 $0x0;
	s3 =	rddreg [dreg:$0x5];
	[sflag:s9] =	ssyncadd.s32 $0xFFFFFE00  }
0x2d: {  	[tilespmem:s11], [sflag:$0x2] =	stream.indirect.gather [hbm4b:s3+s10], $0x1, s1, s10, $0xb8;
	[tilespmem:$0x2600] =	vst v63  }
0x2e: {  	s2 =	simm.s32 $0x40;
	v0 =	vld [tilespmem:s0+$0x0]  }
.LBB2_2:
0x2f: {  	_ =	sdelay $0x1  }
0x30: {  	p0 =	sne.s32 s2, $0x7C0  }
.Ltmp0:
0x31: {  	_ = 	snop;
	(pc) =	sbr.rel @p0 .LBB2_2-.Ltmp0, $4  }
0x32: {  	v1 =	vshll.u32 v0, $0x3  }
0x33: {  	v2 =	vand.u32 $0x7F, v0;
	v1 =	vand.u32 $0xFFFFFC00, v1  }
0x34: {  	s3 =	sshra.s32 s2, $0x2;
	v1 =	vor.u32 v2, v1  }
0x35: {  	s2 =	sadd.s32 $0x40, s2;
	v0 =	vld [tilespmem:s3+$0x0];
	[tilespmem:s0+$0x200] =	vst v1;
	s0 =	smov.u32 s3  }
0x36: {  	_ =	sdelay $0x3  }
0x37: {  	v1 =	vshll.u32 v0, $0x3  }
0x38: {  	v63 =	vand.u32 $0x7F, v0;
	v1 =	vand.u32 $0xFFFFFC00, v1  }
0x39: {  	v0 =	vor.u32 v63, v1  }
0x3a: {  	s3 =	rddreg [dreg:$0x4];
	[tilespmem:s0+$0x200] =	vst v0  }
0x3b: {  	[tilespmem:s12], [sflag:$0x1] =	stream.indirect.gather [hbm4b:s3+s10], $0x1, s10, s10, $0xb8;
	[tilespmem:$0x2600] =	vst v63  }
0x3c: {  	s2 =	rddreg [dreg:$0x6]  }
0x3d: {  	[tilespmem:s13], [sflag:$0x1] =	stream.indirect.gather [hbm4b:s2+s10], $0x1, s10, s10, $0xb8;
	[tilespmem:$0x2600] =	vst v63  }
0x3e: {  	s3 =	rddreg [dreg:$0x7]  }
0x3f: {  	[tilespmem:s14], [sflag:$0x1] =	stream.indirect.gather [hbm4b:s3+s10], $0x1, s10, s10, $0xb8;
	[tilespmem:$0x2600] =	vst v63  }
0x40: {  	s2 =	rddreg [dreg:$0x8]  }
0x41: {  	[tilespmem:s15], [sflag:$0x1] =	stream.indirect.gather [hbm4b:s2+s10], $0x1, s10, s10, $0xb8;
	[tilespmem:$0x2600] =	vst v63  }
0x42: {  	s3 =	rddreg [dreg:$0x9]  }
0x43: {  	[tilespmem:s16], [sflag:$0x1] =	stream.indirect.gather [hbm4b:s3+s10], $0x1, s10, s10, $0xb8;
	[tilespmem:$0x2600] =	vst v63  }
0x44: {  	s2 =	rddreg [dreg:$0xa]  }
0x45: {  	[tilespmem:s17], [sflag:$0x1] =	stream.indirect.gather [hbm4b:s2+s10], $0x1, s10, s10, $0xb8;
	[tilespmem:$0x2600] =	vst v63  }
0x46: {  	s3 =	rddreg [dreg:$0xb]  }
0x47: {  	[tilespmem:s18], [sflag:$0x1] =	stream.indirect.gather [hbm4b:s3+s10], $0x1, s10, s10, $0xb8;
	[tilespmem:$0x2600] =	vst v63  }
0x48: {  	s2 =	rddreg [dreg:$0xc]  }
0x49: {  	[tilespmem:s19], [sflag:$0x1] =	stream.indirect.gather [hbm4b:s2+s10], $0x1, s10, s10, $0xb8;
	[tilespmem:$0x2600] =	vst v63  }
0x4a: {  	s3 =	rddreg [dreg:$0xd]  }
0x4b: {  	[tilespmem:s20], [sflag:$0x1] =	stream.indirect.gather [hbm4b:s3+s10], $0x1, s10, s10, $0xb8;
	[tilespmem:$0x2600] =	vst v63  }
0x4c: {  	s2 =	rddreg [dreg:$0xe]  }
0x4d: {  	[tilespmem:s21], [sflag:$0x1] =	stream.indirect.gather [hbm4b:s2+s10], $0x1, s10, s10, $0xb8;
	[tilespmem:$0x2600] =	vst v63  }
0x4e: {  	s3 =	rddreg [dreg:$0xf]  }
0x4f: {  	[tilespmem:s22], [sflag:$0x1] =	stream.indirect.gather [hbm4b:s3+s10], $0x1, s10, s10, $0xb8;
	[tilespmem:$0x2600] =	vst v63  }
0x50: {  	s2 =	rddreg [dreg:$0x10]  }
0x51: {  	[tilespmem:s23], [sflag:$0x1] =	stream.indirect.gather [hbm4b:s2+s10], $0x1, s10, s10, $0xb8;
	[tilespmem:$0x2600] =	vst v63  }
0x52: {  	s3 =	rddreg [dreg:$0x11]  }
0x53: {  	[tilespmem:s24], [sflag:$0x1] =	stream.indirect.gather [hbm4b:s3+s10], $0x1, s10, s10, $0xb8;
	[tilespmem:$0x2600] =	vst v63  }
0x54: {  	s2 =	rddreg [dreg:$0x12]  }
0x55: {  	[tilespmem:s25], [sflag:$0x1] =	stream.indirect.gather [hbm4b:s2+s10], $0x1, s10, s10, $0xb8;
	[tilespmem:$0x2600] =	vst v63  }
0x56: {  	s3 =	rddreg [dreg:$0x13]  }
0x57: {  	[tilespmem:s26], [sflag:$0x1] =	stream.indirect.gather [hbm4b:s3+s10], $0x1, s10, s10, $0xb8;
	[tilespmem:$0x2600] =	vst v63  }
0x58: {  	s2 =	rddreg [dreg:$0x14]  }
0x59: {  	[tilespmem:s28], [sflag:$0x1] =	stream.indirect.gather [hbm4b:s2+s10], $0x1, s10, s10, $0xb8;
	[tilespmem:$0x2600] =	vst v63  }
0x5a: {  	_ =	swait.ge [sflag:s29], $0x200  }
0x5b: {  	[sflag:s29] =	ssyncset.done $0x0  }
0x5c: {  	[sflag:s29] =	ssyncadd.s32 $0xFFFFFE00  }
0x5d: {  	_ =	swait.ge [sflag:s29], $0x200  }
0x5e: {  	[sflag:s29] =	ssyncset.done $0x0  }
0x5f: {  	[sflag:s29] =	ssyncadd.s32 $0xFFFFFE00  }
0x60: {  	_ =	swait.ge [sflag:s29], $0x200  }
0x61: {  	[sflag:s29] =	ssyncset.done $0x0  }
0x62: {  	[sflag:s29] =	ssyncadd.s32 $0xFFFFFE00  }
0x63: {  	_ =	swait.ge [sflag:s29], $0x200  }
0x64: {  	[sflag:s29] =	ssyncset.done $0x0  }
0x65: {  	[sflag:s29] =	ssyncadd.s32 $0xFFFFFE00  }
0x66: {  	_ =	swait.ge [sflag:s29], $0x200  }
0x67: {  	[sflag:s29] =	ssyncset.done $0x0  }
0x68: {  	[sflag:s29] =	ssyncadd.s32 $0xFFFFFE00  }
0x69: {  	_ =	swait.ge [sflag:s29], $0x200  }
0x6a: {  	[sflag:s29] =	ssyncset.done $0x0  }
0x6b: {  	[sflag:s29] =	ssyncadd.s32 $0xFFFFFE00  }
0x6c: {  	_ =	swait.ge [sflag:s29], $0x200  }
0x6d: {  	[sflag:s29] =	ssyncset.done $0x0  }
0x6e: {  	[sflag:s29] =	ssyncadd.s32 $0xFFFFFE00  }
0x6f: {  	_ =	swait.ge [sflag:s29], $0x200  }
0x70: {  	[sflag:s29] =	ssyncset.done $0x0  }
0x71: {  	[sflag:s29] =	ssyncadd.s32 $0xFFFFFE00  }
0x72: {  	_ =	swait.ge [sflag:s29], $0x200  }
0x73: {  	[sflag:s29] =	ssyncset.done $0x0  }
0x74: {  	[sflag:s29] =	ssyncadd.s32 $0xFFFFFE00  }
0x75: {  	_ =	swait.ge [sflag:s29], $0x200  }
0x76: {  	[sflag:s29] =	ssyncset.done $0x0  }
0x77: {  	[sflag:s29] =	ssyncadd.s32 $0xFFFFFE00  }
0x78: {  	_ =	swait.ge [sflag:s29], $0x200  }
0x79: {  	[sflag:s29] =	ssyncset.done $0x0  }
0x7a: {  	[sflag:s29] =	ssyncadd.s32 $0xFFFFFE00  }
0x7b: {  	_ =	swait.ge [sflag:s29], $0x200  }
0x7c: {  	[sflag:s29] =	ssyncset.done $0x0  }
0x7d: {  	[sflag:s29] =	ssyncadd.s32 $0xFFFFFE00  }
0x7e: {  	_ =	swait.ge [sflag:s29], $0x200  }
0x7f: {  	[sflag:s29] =	ssyncset.done $0x0  }
0x80: {  	[sflag:s29] =	ssyncadd.s32 $0xFFFFFE00  }
0x81: {  	_ =	swait.ge [sflag:s29], $0x200  }
0x82: {  	[sflag:s29] =	ssyncset.done $0x0  }
0x83: {  	[sflag:s29] =	ssyncadd.s32 $0xFFFFFE00  }
0x84: {  	_ =	swait.ge [sflag:s29], $0x200  }
0x85: {  	[sflag:s29] =	ssyncset.done $0x0  }
0x86: {  	[sflag:s29] =	ssyncadd.s32 $0xFFFFFE00  }
0x87: {  	_ =	swait.ge [sflag:s29], $0x200  }
0x88: {  	[sflag:s29] =	ssyncset.done $0x0  }
0x89: {  	[sflag:s29] =	ssyncadd.s32 $0xFFFFFE00  }
0x8a: {  	_ =	swait.ge [sflag:s30], $0x200  }
0x8b: {  	[sflag:s30] =	ssyncset.done $0x0  }
0x8c: {  	s3 =	rddreg [dreg:$0x15];
	[sflag:s30] =	ssyncadd.s32 $0xFFFFFE00  }
0x8d: {  	[hbm4b:s3+s1] =	stream.linear.scatter [tilespmem:s12], [sflag:$0x3], $0x200, $0x38;
	[tilespmem:$0x2600] =	vst v63  }
0x8e: {  	_ =	swait.ge [sflag:s9], $0x200  }
0x8f: {  	[sflag:s9] =	ssyncset.done $0x0  }
0x90: {  	s2 =	rddreg [dreg:$0x16];
	[sflag:s9] =	ssyncadd.s32 $0xFFFFFE00  }
0x91: {  	[hbm4b:s2+s1] =	stream.linear.scatter [tilespmem:s13], [sflag:$0x3], $0x200, $0x38;
	[tilespmem:$0x2600] =	vst v63  }
0x92: {  	_ =	swait.ge [sflag:s9], $0x200  }
0x93: {  	[sflag:s9] =	ssyncset.done $0x0  }
0x94: {  	s3 =	rddreg [dreg:$0x17];
	[sflag:s9] =	ssyncadd.s32 $0xFFFFFE00  }
0x95: {  	[hbm4b:s3+s1] =	stream.linear.scatter [tilespmem:s14], [sflag:$0x3], $0x200, $0x38;
	[tilespmem:$0x2600] =	vst v63  }
0x96: {  	_ =	swait.ge [sflag:s9], $0x200  }
0x97: {  	[sflag:s9] =	ssyncset.done $0x0  }
0x98: {  	s2 =	rddreg [dreg:$0x18];
	[sflag:s9] =	ssyncadd.s32 $0xFFFFFE00  }
0x99: {  	[hbm4b:s2+s1] =	stream.linear.scatter [tilespmem:s15], [sflag:$0x3], $0x200, $0x38;
	[tilespmem:$0x2600] =	vst v63  }
0x9a: {  	_ =	swait.ge [sflag:s9], $0x200  }
0x9b: {  	[sflag:s9] =	ssyncset.done $0x0  }
0x9c: {  	s3 =	rddreg [dreg:$0x19];
	[sflag:s9] =	ssyncadd.s32 $0xFFFFFE00  }
0x9d: {  	[hbm4b:s3+s1] =	stream.linear.scatter [tilespmem:s16], [sflag:$0x3], $0x200, $0x38;
	[tilespmem:$0x2600] =	vst v63  }
0x9e: {  	_ =	swait.ge [sflag:s9], $0x200  }
0x9f: {  	[sflag:s9] =	ssyncset.done $0x0  }
0xa0: {  	s2 =	rddreg [dreg:$0x1a];
	[sflag:s9] =	ssyncadd.s32 $0xFFFFFE00  }
0xa1: {  	[hbm4b:s2+s1] =	stream.linear.scatter [tilespmem:s17], [sflag:$0x3], $0x200, $0x38;
	[tilespmem:$0x2600] =	vst v63  }
0xa2: {  	_ =	swait.ge [sflag:s9], $0x200  }
0xa3: {  	[sflag:s9] =	ssyncset.done $0x0  }
0xa4: {  	s3 =	rddreg [dreg:$0x1b];
	[sflag:s9] =	ssyncadd.s32 $0xFFFFFE00  }
0xa5: {  	[hbm4b:s3+s1] =	stream.linear.scatter [tilespmem:s18], [sflag:$0x3], $0x200, $0x38;
	[tilespmem:$0x2600] =	vst v63  }
0xa6: {  	_ =	swait.ge [sflag:s9], $0x200  }
0xa7: {  	[sflag:s9] =	ssyncset.done $0x0  }
0xa8: {  	s2 =	rddreg [dreg:$0x1c];
	[sflag:s9] =	ssyncadd.s32 $0xFFFFFE00  }
0xa9: {  	[hbm4b:s2+s1] =	stream.linear.scatter [tilespmem:s19], [sflag:$0x3], $0x200, $0x38;
	[tilespmem:$0x2600] =	vst v63  }
0xaa: {  	_ =	swait.ge [sflag:s9], $0x200  }
0xab: {  	[sflag:s9] =	ssyncset.done $0x0  }
0xac: {  	s3 =	rddreg [dreg:$0x1d];
	[sflag:s9] =	ssyncadd.s32 $0xFFFFFE00  }
0xad: {  	[hbm4b:s3+s1] =	stream.linear.scatter [tilespmem:s20], [sflag:$0x3], $0x200, $0x38;
	[tilespmem:$0x2600] =	vst v63  }
0xae: {  	_ =	swait.ge [sflag:s9], $0x200  }
0xaf: {  	[sflag:s9] =	ssyncset.done $0x0  }
0xb0: {  	s2 =	rddreg [dreg:$0x1e];
	[sflag:s9] =	ssyncadd.s32 $0xFFFFFE00  }
0xb1: {  	[hbm4b:s2+s1] =	stream.linear.scatter [tilespmem:s21], [sflag:$0x3], $0x200, $0x38;
	[tilespmem:$0x2600] =	vst v63  }
0xb2: {  	_ =	swait.ge [sflag:s9], $0x200  }
0xb3: {  	[sflag:s9] =	ssyncset.done $0x0  }
0xb4: {  	s3 =	rddreg [dreg:$0x1f];
	[sflag:s9] =	ssyncadd.s32 $0xFFFFFE00  }
0xb5: {  	[hbm4b:s3+s1] =	stream.linear.scatter [tilespmem:s22], [sflag:$0x3], $0x200, $0x38;
	[tilespmem:$0x2600] =	vst v63  }
0xb6: {  	_ =	swait.ge [sflag:s9], $0x200  }
0xb7: {  	s2 =	sld [smem:$0x7FC]  }
0xb8: {  	[sflag:s9] =	ssyncset.done $0x0  }
0xb9: {  	[sflag:s9] =	ssyncadd.s32 $0xFFFFFE00  }
0xba: {  	[hbm4b:s2+s1] =	stream.linear.scatter [tilespmem:s23], [sflag:$0x3], $0x200, $0x38;
	[tilespmem:$0x2600] =	vst v63  }
0xbb: {  	_ =	swait.ge [sflag:s9], $0x200  }
0xbc: {  	s3 =	sld [smem:$0x7FD]  }
0xbd: {  	[sflag:s9] =	ssyncset.done $0x0  }
0xbe: {  	[sflag:s9] =	ssyncadd.s32 $0xFFFFFE00  }
0xbf: {  	[hbm4b:s3+s1] =	stream.linear.scatter [tilespmem:s24], [sflag:$0x3], $0x200, $0x38;
	[tilespmem:$0x2600] =	vst v63  }
0xc0: {  	_ =	swait.ge [sflag:s9], $0x200  }
0xc1: {  	[sflag:s9] =	ssyncset.done $0x0  }
0xc2: {  	[sflag:s9] =	ssyncadd.s32 $0xFFFFFE00  }
0xc3: {  	[hbm4b:s5+s1] =	stream.linear.scatter [tilespmem:s25], [sflag:$0x3], $0x200, $0x38;
	[tilespmem:$0x2600] =	vst v63  }
0xc4: {  	_ =	swait.ge [sflag:s9], $0x200  }
0xc5: {  	[sflag:s9] =	ssyncset.done $0x0  }
0xc6: {  	[sflag:s9] =	ssyncadd.s32 $0xFFFFFE00  }
0xc7: {  	[hbm4b:s6+s1] =	stream.linear.scatter [tilespmem:s26], [sflag:$0x3], $0x200, $0x38;
	[tilespmem:$0x2600] =	vst v63  }
0xc8: {  	_ =	swait.ge [sflag:s9], $0x200  }
0xc9: {  	[sflag:s9] =	ssyncset.done $0x0  }
0xca: {  	[sflag:s9] =	ssyncadd.s32 $0xFFFFFE00  }
0xcb: {  	[hbm4b:s7+s1] =	stream.linear.scatter [tilespmem:s28], [sflag:$0x3], $0x200, $0x38;
	[tilespmem:$0x2600] =	vst v63  }
0xcc: {  	s31 =	sadd.s32 $0x1, s31;
	_ =	swait.ge [sflag:s9], $0x200  }
0xcd: {  	p0 =	sne.s32 s31, s8;
	[sflag:s9] =	ssyncset.done $0x0  }
.Ltmp1:
0xce: {  	[sflag:s9] =	ssyncadd.s32 $0xFFFFFE00;
	(pc) =	sbr.rel @p0 .LBB2_1-.Ltmp1, $4  }
0xcf: {  	[hbm4b:s4+s1] =	stream.linear.scatter [tilespmem:s11], [sflag:$0x3], $0x200, $0x38;
	[tilespmem:$0x2600] =	vst v63  }
0xd0: {  	_ =	swait.ge [sflag:s9], $0x200  }
0xd1: {  	[sflag:s9] =	ssyncset.done $0x0  }
0xd2: {  	[sflag:s9] =	ssyncadd.s32 $0xFFFFFE00  }
0xd3: {  	_ =	sfence.sel $0x180000  }
0xd4: {  	[bflag:$0x0] =	sbarrier.arrive $0xFFFF  }
0xd5: {  	_ =	strace $0x90000047  }
0xd6: {  	s0 =	stileid.u32;
	[bflag:$0x2] =	sbarrier.arrive $0xFFFF  }
0xd7: {  	p0 =	sne.s32 s0, $0x0;
	s0 =	rddreg [dreg:$0x3]  }
0xd8: {  	s0 =	sadd.s32 @!p0 $0x100000, s0  }
0xd9: {  	[sflag:s0] =	ssyncadd.tile.s32 @!p0 $0x1;
	_ =	shalt  }
.Lfunc_end2:
_tile_overlayer_lowered:
.L_overlay_start_2:
0xda: {  	(tag) =	ssettag $0x2  }
0xdb: {  	s0 =	rddreg [dreg:$0x0];
	s2 =	stileid.u32  }
0xdc: {  	s1 =	rddreg [dreg:$0x1];
	p0 =	sne.s32 s2, $0x0  }
0xdd: {  	s3 =	rddreg [dreg:$0x2];
	[bflag:$0x3] =	sbarrier.arrive $0xFFFF;
	s2 =	simm.s32 @!p0 $0x1C03  }
0xde: {  	[timem:s3], [sflag:s2] =	dma.local @!p0 [hbm:s0], s1  }
0xdf: {  	s0 =	simm.s32 @!p0 $0x3  }
0xe0: {  	_ =	swait.ge @!p0 [sflag:s0], s1  }
0xe1: {  	s1 =	ssub.s32 @!p0 $0x0, s1;
	[sflag:s0] =	ssyncset.done @!p0 $0x0  }
0xe2: {  	[sflag:s0] =	ssyncadd.s32 @!p0 s1  }
0xe3: {  	[bflag:$0x3] =	sbarrier.arrive $0xFFFF  }
0xe4: {  	_ =	shalt  }

</sc_bundles>
